<compile_context>
chip_gen: v7x
topology: tpu7x:2x2x1
jax: 0.10.2.dev20260603
libtpu: 0.0.44.dev20260713+nightly
codegen_flags: <defaults>
</compile_context>

<pallas_src>
import functools

import jax
import jax.numpy as jnp
from jax import lax
from jax.experimental import pallas as pl
from jax.experimental.pallas import tpu as pltpu
from jax.experimental.pallas import tpu_sc as plsc

NC = 2
NS = 16
K = 128
G = 8

_SELU_ALPHA = 1.6732632423543772848170429916717
_SELU_SCALE = 1.0507009873554804934193349852946


def _sc_agg_body(x_hbm, rows_hbm, cols_hbm, vals_hbm, out_hbm,
                 agg_sh, rows_b, cols_b, vals_b, xrows_v, scaled_v, sem):
    n = x_hbm.shape[0]
    d = x_hbm.shape[1]
    nchunks = rows_hbm.shape[1]
    ngroups = nchunks // G
    c = lax.axis_index("c")
    s = lax.axis_index("s")
    rows_per_sub = (n // NS) // 8 * 8
    tail = n - rows_per_sub * NS
    nvec = d // 16

    def zero_body(i, _):
        for f in range(nvec):
            scaled_v[i, pl.ds(f * 16, 16)] = jnp.zeros((16,), jnp.float32)
        return 0
    lax.fori_loop(0, K, zero_body, 0)
    nfull = rows_per_sub // K
    for j in range(nfull):
        pltpu.sync_copy(scaled_v, agg_sh.at[pl.ds(s * rows_per_sub + j * K, K), :])
    rem = rows_per_sub - nfull * K
    if rem:
        pltpu.sync_copy(scaled_v.at[pl.ds(0, rem), :],
                        agg_sh.at[pl.ds(s * rows_per_sub + nfull * K, rem), :])
    @pl.when(s == NS - 1)
    def _():
        pltpu.sync_copy(scaled_v.at[pl.ds(0, tail), :],
                        agg_sh.at[pl.ds(rows_per_sub * NS, tail), :])
    plsc.subcore_barrier()

    sq = lax.broadcast(c == 1, (16,))

    def group_body(g, _):
        pltpu.sync_copy(rows_hbm.at[s, pl.ds(g * G, G), :], rows_b)
        pltpu.sync_copy(cols_hbm.at[s, pl.ds(g * G, G), :], cols_b)
        pltpu.sync_copy(vals_hbm.at[s, pl.ds(g * G, G), :], vals_b)

        def chunk_body(k, _):
            pltpu.async_copy(x_hbm.at[cols_b.at[k]], xrows_v, sem).wait()

            def edge_body(e, _):
                val16 = plsc.load_gather(
                    vals_b, [jnp.full((16,), k, jnp.int32),
                             jnp.full((16,), e, jnp.int32)])
                for f in range(nvec):
                    xv = xrows_v[e, pl.ds(f * 16, 16)]
                    xs = jnp.where(sq, xv * xv, xv)
                    scaled_v[e, pl.ds(f * 16, 16)] = xs * val16
                return 0
            lax.fori_loop(0, K, edge_body, 0)

            pltpu.sync_copy(scaled_v, agg_sh.at[rows_b.at[k]], add=True)
            return 0
        lax.fori_loop(0, G, chunk_body, 0)
        return 0
    lax.fori_loop(0, ngroups, group_body, 0)

    plsc.subcore_barrier()
    pltpu.sync_copy(agg_sh.at[pl.ds(s * rows_per_sub, rows_per_sub), :],
                    out_hbm.at[c, pl.ds(s * rows_per_sub, rows_per_sub), :])
    @pl.when(s == NS - 1)
    def _():
        pltpu.sync_copy(agg_sh.at[pl.ds(rows_per_sub * NS, tail), :],
                        out_hbm.at[c, pl.ds(rows_per_sub * NS, tail), :])


def _sc_agg(x, rows3, cols3, vals3):
    n, d = x.shape
    nchunks = rows3.shape[1]
    mesh = plsc.VectorSubcoreMesh(core_axis_name="c", subcore_axis_name="s")
    fn = pl.kernel(
        _sc_agg_body,
        out_type=jax.ShapeDtypeStruct((NC, n, d), jnp.float32),
        mesh=mesh,
        compiler_params=pltpu.CompilerParams(needs_layout_passes=False),
        scratch_types=[
            pltpu.VMEM_SHARED((n, d), jnp.float32),
            pltpu.VMEM((G, K), jnp.int32),
            pltpu.VMEM((G, K), jnp.int32),
            pltpu.VMEM((G, K), jnp.float32),
            pltpu.VMEM((K, d), jnp.float32),
            pltpu.VMEM((K, d), jnp.float32),
            pltpu.SemaphoreType.DMA,
        ],
    )
    return fn(x, rows3, cols3, vals3)


def _selu(z):
    return _SELU_SCALE * jnp.where(z > 0, z, _SELU_ALPHA * (jnp.exp(z) - 1.0))


def _tc_mlp_body(x_ref, agg_ref, w00, b00, w01, b01, w10, b10, w11, b11, out_ref):
    xb = x_ref[...]
    params = [((w00, b00), (w01, b01)), ((w10, b10), (w11, b11))]
    d = xb.shape[1]
    cur = xb
    for i in range(2):
        t = agg_ref[i] + cur
        for (w, b) in params[i]:
            t = _selu(jnp.dot(t, w[...], precision=lax.Precision.HIGHEST,
                              preferred_element_type=jnp.float32) + b[...])
        out_ref[:, i * d:(i + 1) * d] = t
        cur = xb * xb


def _tc_mlp(x, agg, weights):
    n, d = x.shape
    bn = 1000
    grid = (n // bn,)
    full = lambda shape: pl.BlockSpec(shape, lambda i: (0,) * len(shape))
    in_specs = [
        pl.BlockSpec((bn, d), lambda i: (i, 0)),
        pl.BlockSpec((NC, bn, d), lambda i: (0, i, 0)),
    ]
    for (w, b) in weights:
        in_specs.append(full(w.shape))
        in_specs.append(full(b.shape))
    flat = []
    for (w, b) in weights:
        flat += [w, b]
    return pl.pallas_call(
        _tc_mlp_body,
        grid=grid,
        in_specs=in_specs,
        out_specs=pl.BlockSpec((bn, 2 * d), lambda i: (i, 0)),
        out_shape=jax.ShapeDtypeStruct((n, 2 * d), jnp.float32),
    )(x, agg, *flat)


def kernel(x, edge_index, edge_vals, W_0_0, b_0_0, W_0_1, b_0_1, W_1_0, b_1_0, W_1_1, b_1_1):
    n, d = x.shape
    e = edge_vals.shape[0]
    quantum = NS * G * K
    ep = (e + quantum - 1) // quantum * quantum
    pad = ep - e
    rows_f = edge_index[0]
    cols_f = edge_index[1]
    vals_f = edge_vals
    if pad:
        zi = jnp.zeros((pad,), jnp.int32)
        rows_f = jnp.concatenate([rows_f, zi])
        cols_f = jnp.concatenate([cols_f, zi])
        vals_f = jnp.concatenate([vals_f, jnp.zeros((pad,), jnp.float32)])
    nchunks = ep // (NS * K)
    rows3 = rows_f.reshape(NS, nchunks, K)
    cols3 = cols_f.reshape(NS, nchunks, K)
    vals3 = vals_f.reshape(NS, nchunks, K)
    agg = _sc_agg(x, rows3, cols3, vals3)
    weights = [
        (W_0_0, b_0_0.reshape(1, d)), (W_0_1, b_0_1.reshape(1, d)),
        (W_1_0, b_1_0.reshape(1, d)), (W_1_1, b_1_1.reshape(1, d)),
    ]
    return _tc_mlp(x, agg, weights)

# --- scband reference (transcript-rebuilt; emitter-appended) ---
"""Pipeline reference for scband-graph-capsule-conv-87024627352057 (READ-ONLY COPY).

The authoritative reference and input builder live on the scoring server;
editing this copy changes nothing except your own understanding.
"""

import jax, jax.numpy as jnp
import numpy as np

N = 10000
E = 320000
D = 128
H = 128
NUM_STATS_OUT = 2
NUM_GFC = 2


def setup_inputs(seed: int = 0) -> dict:
    key = jax.random.key(seed)
    ks = jax.random.split(key, 3 + NUM_STATS_OUT * NUM_GFC * 2)
    inp = {}
    inp["x"] = jax.random.normal(ks[0], (N, D), dtype=jnp.float32)
    inp["edge_index"] = jax.random.randint(ks[1], (2, E), 0, N, dtype=jnp.int32)
    inp["edge_vals"] = jax.random.uniform(ks[2], (E,), dtype=jnp.float32)
    k = 3
    for i in range(NUM_STATS_OUT):
        in_dim = D
        for j in range(NUM_GFC):
            scale = 1.0 / np.sqrt(in_dim)
            inp[f"W_{i}_{j}"] = jax.random.uniform(ks[k], (in_dim, H), dtype=jnp.float32, minval=-scale, maxval=scale)
            inp[f"b_{i}_{j}"] = jax.random.uniform(ks[k + 1], (H,), dtype=jnp.float32, minval=-scale, maxval=scale)
            k += 2
            in_dim = H
    return inp


def reference(x, edge_index, edge_vals, W_0_0, b_0_0, W_0_1, b_0_1, W_1_0, b_1_0, W_1_1, b_1_1):
    # A is a sparse [N, N] matrix in COO form: rows=edge_index[0], cols=edge_index[1], values=edge_vals.
    rows = edge_index[0]
    cols = edge_index[1]
    params = [[(W_0_0, b_0_0), (W_0_1, b_0_1)], [(W_1_0, b_1_0), (W_1_1, b_1_1)]]
    x_in = x
    cur = x
    outputs = []
    for i in range(NUM_STATS_OUT):
        # torch.spmm(A, x): gather source features, scale by edge value, scatter-add to destination rows
        agg = jax.ops.segment_sum(edge_vals[:, None] * jnp.take(cur, cols, axis=0), rows, num_segments=N)
        out = agg + cur
        for (W, b) in params[i]:
            out = jax.nn.selu(out @ W + b)
        outputs.append(out)
        cur = cur * x_in
    return jnp.concatenate(outputs, axis=1)

if __name__ == "__main__":
    import jax
    _d = setup_inputs()
    print(jax.jit(kernel)(*tuple(_d.values())))

</pallas_src>

<mosaic_0001>
#map = affine_map<(d0, d1) -> (0, 0)>
#map1 = affine_map<(d0, d1) -> (0, 0, 0)>
module attributes {stable_mosaic.version = 14 : i64} {
  func.func @_sc_agg_body(%arg0: i32, %arg1: i32, %arg2: memref<10000x128xf32, #tpu.memory_space<hbm>>, %arg3: memref<16x160x128xi32, #tpu.memory_space<hbm>>, %arg4: memref<16x160x128xi32, #tpu.memory_space<hbm>>, %arg5: memref<16x160x128xf32, #tpu.memory_space<hbm>>, %arg6: memref<2x10000x128xf32, #tpu.memory_space<hbm>>, %arg7: memref<10000x128xf32, #tpu.memory_space<vmem_shared>>, %arg8: memref<8x128xi32, #tpu.memory_space<vmem>>, %arg9: memref<8x128xi32, #tpu.memory_space<vmem>>, %arg10: memref<8x128xf32, #tpu.memory_space<vmem>>, %arg11: memref<128x128xf32, #tpu.memory_space<vmem>>, %arg12: memref<128x128xf32, #tpu.memory_space<vmem>>, %arg13: memref<!tpu.dma_semaphore, #tpu.memory_space<semaphore_mem>>) attributes {dimension_semantics = [#tpu.dimension_semantics<core_parallel>, #tpu.dimension_semantics<subcore_parallel>], iteration_bounds = array<i64: 2, 16>, scalar_prefetch = 0 : i64, scratch_operands = 7 : i64, tpu.core_type = #tpu.core_type<sc_vector_subcore>, window_params = [{transform_indices = #map}, {transform_indices = #map1}, {transform_indices = #map1}, {transform_indices = #map1}, {transform_indices = #map1}]} {
    %scan3A = arith.constant 0 : i32
    %scan3A_0 = arith.constant 0 : i32
    %scan3A_1 = arith.constant 128 : i32
    %scan3A_2 = arith.addi %scan3A_0, %scan3A_1 : i32
    %scan3A_3 = arith.constant 1 : i32
    %scan3A_4 = scf.for %scan3A_45 = %scan3A_0 to %scan3A_2 step %scan3A_3 iter_args(%scan3A_46 = %scan3A) -> (i32)  : i32 {
      %broadcast_in_dim3A_47 = arith.constant 0.000000e+00 : f32
      %broadcast_in_dim3A_48 = vector.broadcast %broadcast_in_dim3A_47 : f32 to vector<16xf32>
      %swap3A = arith.index_cast %scan3A_45 : i32 to index
      %swap3A_49 = arith.constant 0 : index
      %swap3A_50 = tpu.vector_load %arg12[%swap3A, %swap3A_49] {strides = array<i32>} : memref<128x128xf32, #tpu.memory_space<vmem>>, vector<16xf32>,
      tpu.vector_store %arg12[%swap3A, %swap3A_49], %broadcast_in_dim3A_48 {strides = array<i32>} : memref<128x128xf32, #tpu.memory_space<vmem>>, vector<16xf32>,
      %broadcast_in_dim3A_51 = arith.constant 0.000000e+00 : f32
      %broadcast_in_dim3A_52 = vector.broadcast %broadcast_in_dim3A_51 : f32 to vector<16xf32>
      %swap3A_53 = arith.index_cast %scan3A_45 : i32 to index
      %swap3A_54 = arith.constant 16 : index
      %swap3A_55 = tpu.vector_load %arg12[%swap3A_53, %swap3A_54] {strides = array<i32>} : memref<128x128xf32, #tpu.memory_space<vmem>>, vector<16xf32>,
      tpu.vector_store %arg12[%swap3A_53, %swap3A_54], %broadcast_in_dim3A_52 {strides = array<i32>} : memref<128x128xf32, #tpu.memory_space<vmem>>, vector<16xf32>,
      %broadcast_in_dim3A_56 = arith.constant 0.000000e+00 : f32
      %broadcast_in_dim3A_57 = vector.broadcast %broadcast_in_dim3A_56 : f32 to vector<16xf32>
      %swap3A_58 = arith.index_cast %scan3A_45 : i32 to index
      %swap3A_59 = arith.constant 32 : index
      %swap3A_60 = tpu.vector_load %arg12[%swap3A_58, %swap3A_59] {strides = array<i32>} : memref<128x128xf32, #tpu.memory_space<vmem>>, vector<16xf32>,
      tpu.vector_store %arg12[%swap3A_58, %swap3A_59], %broadcast_in_dim3A_57 {strides = array<i32>} : memref<128x128xf32, #tpu.memory_space<vmem>>, vector<16xf32>,
      %broadcast_in_dim3A_61 = arith.constant 0.000000e+00 : f32
      %broadcast_in_dim3A_62 = vector.broadcast %broadcast_in_dim3A_61 : f32 to vector<16xf32>
      %swap3A_63 = arith.index_cast %scan3A_45 : i32 to index
      %swap3A_64 = arith.constant 48 : index
      %swap3A_65 = tpu.vector_load %arg12[%swap3A_63, %swap3A_64] {strides = array<i32>} : memref<128x128xf32, #tpu.memory_space<vmem>>, vector<16xf32>,
      tpu.vector_store %arg12[%swap3A_63, %swap3A_64], %broadcast_in_dim3A_62 {strides = array<i32>} : memref<128x128xf32, #tpu.memory_space<vmem>>, vector<16xf32>,
      %broadcast_in_dim3A_66 = arith.constant 0.000000e+00 : f32
      %broadcast_in_dim3A_67 = vector.broadcast %broadcast_in_dim3A_66 : f32 to vector<16xf32>
      %swap3A_68 = arith.index_cast %scan3A_45 : i32 to index
      %swap3A_69 = arith.constant 64 : index
      %swap3A_70 = tpu.vector_load %arg12[%swap3A_68, %swap3A_69] {strides = array<i32>} : memref<128x128xf32, #tpu.memory_space<vmem>>, vector<16xf32>,
      tpu.vector_store %arg12[%swap3A_68, %swap3A_69], %broadcast_in_dim3A_67 {strides = array<i32>} : memref<128x128xf32, #tpu.memory_space<vmem>>, vector<16xf32>,
      %broadcast_in_dim3A_71 = arith.constant 0.000000e+00 : f32
      %broadcast_in_dim3A_72 = vector.broadcast %broadcast_in_dim3A_71 : f32 to vector<16xf32>
      %swap3A_73 = arith.index_cast %scan3A_45 : i32 to index
      %swap3A_74 = arith.constant 80 : index
      %swap3A_75 = tpu.vector_load %arg12[%swap3A_73, %swap3A_74] {strides = array<i32>} : memref<128x128xf32, #tpu.memory_space<vmem>>, vector<16xf32>,
      tpu.vector_store %arg12[%swap3A_73, %swap3A_74], %broadcast_in_dim3A_72 {strides = array<i32>} : memref<128x128xf32, #tpu.memory_space<vmem>>, vector<16xf32>,
      %broadcast_in_dim3A_76 = arith.constant 0.000000e+00 : f32
      %broadcast_in_dim3A_77 = vector.broadcast %broadcast_in_dim3A_76 : f32 to vector<16xf32>
      %swap3A_78 = arith.index_cast %scan3A_45 : i32 to index
      %swap3A_79 = arith.constant 96 : index
      %swap3A_80 = tpu.vector_load %arg12[%swap3A_78, %swap3A_79] {strides = array<i32>} : memref<128x128xf32, #tpu.memory_space<vmem>>, vector<16xf32>,
      tpu.vector_store %arg12[%swap3A_78, %swap3A_79], %broadcast_in_dim3A_77 {strides = array<i32>} : memref<128x128xf32, #tpu.memory_space<vmem>>, vector<16xf32>,
      %broadcast_in_dim3A_81 = arith.constant 0.000000e+00 : f32
      %broadcast_in_dim3A_82 = vector.broadcast %broadcast_in_dim3A_81 : f32 to vector<16xf32>
      %swap3A_83 = arith.index_cast %scan3A_45 : i32 to index
      %swap3A_84 = arith.constant 112 : index
      %swap3A_85 = tpu.vector_load %arg12[%swap3A_83, %swap3A_84] {strides = array<i32>} : memref<128x128xf32, #tpu.memory_space<vmem>>, vector<16xf32>,
      tpu.vector_store %arg12[%swap3A_83, %swap3A_84], %broadcast_in_dim3A_82 {strides = array<i32>} : memref<128x128xf32, #tpu.memory_space<vmem>>, vector<16xf32>,
      %scan3A_86 = arith.constant 0 : i32
      scf.yield %scan3A_86 : i32
    }
    %scan3A_5 = arith.constant 128 : i32
    %mul3A = arith.constant 624 : i32
    %mul3A_6 = arith.muli %arg1, %mul3A : i32
    %add3A = arith.constant 0 : i32
    %add3A_7 = arith.addi %mul3A_6, %add3A : i32
    "tpu.region"() ({
      %run_scoped3A = tpu.sem_alloc : memref<!tpu.dma_semaphore, #tpu.memory_space<semaphore_mem>>
      %dma_start3A = arith.constant 0 : i32
      %dma_start3A_45 = tpu.memref_slice %arg7[%add3A_7, %dma_start3A] : memref<10000x128xf32, #tpu.memory_space<vmem_shared>> -> memref<128x128xf32, #tpu.memory_space<vmem_shared>>
      %dma_start3A_46 = arith.constant 0 : i32
      %dma_start3A_47 = tpu.memref_slice %arg7[%add3A_7, %dma_start3A_46] : memref<10000x128xf32, #tpu.memory_space<vmem_shared>> -> memref<128x128xf32, #tpu.memory_space<vmem_shared>>
      tpu.enqueue_dma source(%arg12 : memref<128x128xf32, #tpu.memory_space<vmem>>) target(%dma_start3A_47 : memref<128x128xf32, #tpu.memory_space<vmem_shared>>) target_semaphore(%run_scoped3A : memref<!tpu.dma_semaphore, #tpu.memory_space<semaphore_mem>>)
      %dma_wait3A = arith.constant 0 : i32
      %dma_wait3A_48 = tpu.memref_slice %arg7[%add3A_7, %dma_wait3A] : memref<10000x128xf32, #tpu.memory_space<vmem_shared>> -> memref<128x128xf32, #tpu.memory_space<vmem_shared>>
      %dma_wait3A_49 = arith.constant 0 : i32
      %dma_wait3A_50 = tpu.memref_slice %arg7[%add3A_7, %dma_wait3A_49] : memref<10000x128xf32, #tpu.memory_space<vmem_shared>> -> memref<128x128xf32, #tpu.memory_space<vmem_shared>>
      tpu.wait_dma2 semaphore(%run_scoped3A : memref<!tpu.dma_semaphore, #tpu.memory_space<semaphore_mem>>) src(%arg12 : memref<128x128xf32, #tpu.memory_space<vmem>>) dst(%dma_wait3A_50 : memref<128x128xf32, #tpu.memory_space<vmem_shared>>)
      tpu.yield
    }) : () -> ()
    %mul3A_8 = arith.constant 624 : i32
    %mul3A_9 = arith.muli %arg1, %mul3A_8 : i32
    %add3A_10 = arith.constant 128 : i32
    %add3A_11 = arith.addi %mul3A_9, %add3A_10 : i32
    "tpu.region"() ({
      %run_scoped3A = tpu.sem_alloc : memref<!tpu.dma_semaphore, #tpu.memory_space<semaphore_mem>>
      %dma_start3A = arith.constant 0 : i32
      %dma_start3A_45 = tpu.memref_slice %arg7[%add3A_11, %dma_start3A] : memref<10000x128xf32, #tpu.memory_space<vmem_shared>> -> memref<128x128xf32, #tpu.memory_space<vmem_shared>>
      %dma_start3A_46 = arith.constant 0 : i32
      %dma_start3A_47 = tpu.memref_slice %arg7[%add3A_11, %dma_start3A_46] : memref<10000x128xf32, #tpu.memory_space<vmem_shared>> -> memref<128x128xf32, #tpu.memory_space<vmem_shared>>
      tpu.enqueue_dma source(%arg12 : memref<128x128xf32, #tpu.memory_space<vmem>>) target(%dma_start3A_47 : memref<128x128xf32, #tpu.memory_space<vmem_shared>>) target_semaphore(%run_scoped3A : memref<!tpu.dma_semaphore, #tpu.memory_space<semaphore_mem>>)
      %dma_wait3A = arith.constant 0 : i32
      %dma_wait3A_48 = tpu.memref_slice %arg7[%add3A_11, %dma_wait3A] : memref<10000x128xf32, #tpu.memory_space<vmem_shared>> -> memref<128x128xf32, #tpu.memory_space<vmem_shared>>
      %dma_wait3A_49 = arith.constant 0 : i32
      %dma_wait3A_50 = tpu.memref_slice %arg7[%add3A_11, %dma_wait3A_49] : memref<10000x128xf32, #tpu.memory_space<vmem_shared>> -> memref<128x128xf32, #tpu.memory_space<vmem_shared>>
      tpu.wait_dma2 semaphore(%run_scoped3A : memref<!tpu.dma_semaphore, #tpu.memory_space<semaphore_mem>>) src(%arg12 : memref<128x128xf32, #tpu.memory_space<vmem>>) dst(%dma_wait3A_50 : memref<128x128xf32, #tpu.memory_space<vmem_shared>>)
      tpu.yield
    }) : () -> ()
    %mul3A_12 = arith.constant 624 : i32
    %mul3A_13 = arith.muli %arg1, %mul3A_12 : i32
    %add3A_14 = arith.constant 256 : i32
    %add3A_15 = arith.addi %mul3A_13, %add3A_14 : i32
    "tpu.region"() ({
      %run_scoped3A = tpu.sem_alloc : memref<!tpu.dma_semaphore, #tpu.memory_space<semaphore_mem>>
      %dma_start3A = arith.constant 0 : i32
      %dma_start3A_45 = tpu.memref_slice %arg7[%add3A_15, %dma_start3A] : memref<10000x128xf32, #tpu.memory_space<vmem_shared>> -> memref<128x128xf32, #tpu.memory_space<vmem_shared>>
      %dma_start3A_46 = arith.constant 0 : i32
      %dma_start3A_47 = tpu.memref_slice %arg7[%add3A_15, %dma_start3A_46] : memref<10000x128xf32, #tpu.memory_space<vmem_shared>> -> memref<128x128xf32, #tpu.memory_space<vmem_shared>>
      tpu.enqueue_dma source(%arg12 : memref<128x128xf32, #tpu.memory_space<vmem>>) target(%dma_start3A_47 : memref<128x128xf32, #tpu.memory_space<vmem_shared>>) target_semaphore(%run_scoped3A : memref<!tpu.dma_semaphore, #tpu.memory_space<semaphore_mem>>)
      %dma_wait3A = arith.constant 0 : i32
      %dma_wait3A_48 = tpu.memref_slice %arg7[%add3A_15, %dma_wait3A] : memref<10000x128xf32, #tpu.memory_space<vmem_shared>> -> memref<128x128xf32, #tpu.memory_space<vmem_shared>>
      %dma_wait3A_49 = arith.constant 0 : i32
      %dma_wait3A_50 = tpu.memref_slice %arg7[%add3A_15, %dma_wait3A_49] : memref<10000x128xf32, #tpu.memory_space<vmem_shared>> -> memref<128x128xf32, #tpu.memory_space<vmem_shared>>
      tpu.wait_dma2 semaphore(%run_scoped3A : memref<!tpu.dma_semaphore, #tpu.memory_space<semaphore_mem>>) src(%arg12 : memref<128x128xf32, #tpu.memory_space<vmem>>) dst(%dma_wait3A_50 : memref<128x128xf32, #tpu.memory_space<vmem_shared>>)
      tpu.yield
    }) : () -> ()
    %mul3A_16 = arith.constant 624 : i32
    %mul3A_17 = arith.muli %arg1, %mul3A_16 : i32
    %add3A_18 = arith.constant 384 : i32
    %add3A_19 = arith.addi %mul3A_17, %add3A_18 : i32
    "tpu.region"() ({
      %run_scoped3A = tpu.sem_alloc : memref<!tpu.dma_semaphore, #tpu.memory_space<semaphore_mem>>
      %dma_start3A = arith.constant 0 : i32
      %dma_start3A_45 = tpu.memref_slice %arg7[%add3A_19, %dma_start3A] : memref<10000x128xf32, #tpu.memory_space<vmem_shared>> -> memref<128x128xf32, #tpu.memory_space<vmem_shared>>
      %dma_start3A_46 = arith.constant 0 : i32
      %dma_start3A_47 = tpu.memref_slice %arg7[%add3A_19, %dma_start3A_46] : memref<10000x128xf32, #tpu.memory_space<vmem_shared>> -> memref<128x128xf32, #tpu.memory_space<vmem_shared>>
      tpu.enqueue_dma source(%arg12 : memref<128x128xf32, #tpu.memory_space<vmem>>) target(%dma_start3A_47 : memref<128x128xf32, #tpu.memory_space<vmem_shared>>) target_semaphore(%run_scoped3A : memref<!tpu.dma_semaphore, #tpu.memory_space<semaphore_mem>>)
      %dma_wait3A = arith.constant 0 : i32
      %dma_wait3A_48 = tpu.memref_slice %arg7[%add3A_19, %dma_wait3A] : memref<10000x128xf32, #tpu.memory_space<vmem_shared>> -> memref<128x128xf32, #tpu.memory_space<vmem_shared>>
      %dma_wait3A_49 = arith.constant 0 : i32
      %dma_wait3A_50 = tpu.memref_slice %arg7[%add3A_19, %dma_wait3A_49] : memref<10000x128xf32, #tpu.memory_space<vmem_shared>> -> memref<128x128xf32, #tpu.memory_space<vmem_shared>>
      tpu.wait_dma2 semaphore(%run_scoped3A : memref<!tpu.dma_semaphore, #tpu.memory_space<semaphore_mem>>) src(%arg12 : memref<128x128xf32, #tpu.memory_space<vmem>>) dst(%dma_wait3A_50 : memref<128x128xf32, #tpu.memory_space<vmem_shared>>)
      tpu.yield
    }) : () -> ()
    %mul3A_20 = arith.constant 624 : i32
    %mul3A_21 = arith.muli %arg1, %mul3A_20 : i32
    %add3A_22 = arith.constant 512 : i32
    %add3A_23 = arith.addi %mul3A_21, %add3A_22 : i32
    "tpu.region"() ({
      %run_scoped3A = tpu.sem_alloc : memref<!tpu.dma_semaphore, #tpu.memory_space<semaphore_mem>>
      %dma_start3A = arith.constant 0 : i32
      %dma_start3A_45 = arith.constant 0 : i32
      %dma_start3A_46 = tpu.memref_slice %arg12[%dma_start3A, %dma_start3A_45] : memref<128x128xf32, #tpu.memory_space<vmem>> -> memref<112x128xf32, #tpu.memory_space<vmem>>
      %dma_start3A_47 = arith.constant 0 : i32
      %dma_start3A_48 = tpu.memref_slice %arg7[%add3A_23, %dma_start3A_47] : memref<10000x128xf32, #tpu.memory_space<vmem_shared>> -> memref<112x128xf32, #tpu.memory_space<vmem_shared>>
      %dma_start3A_49 = arith.constant 0 : i32
      %dma_start3A_50 = tpu.memref_slice %arg7[%add3A_23, %dma_start3A_49] : memref<10000x128xf32, #tpu.memory_space<vmem_shared>> -> memref<112x128xf32, #tpu.memory_space<vmem_shared>>
      %dma_start3A_51 = arith.constant 0 : i32
      %dma_start3A_52 = arith.constant 0 : i32
      %dma_start3A_53 = tpu.memref_slice %arg12[%dma_start3A_51, %dma_start3A_52] : memref<128x128xf32, #tpu.memory_space<vmem>> -> memref<112x128xf32, #tpu.memory_space<vmem>>
      tpu.enqueue_dma source(%dma_start3A_53 : memref<112x128xf32, #tpu.memory_space<vmem>>) target(%dma_start3A_50 : memref<112x128xf32, #tpu.memory_space<vmem_shared>>) target_semaphore(%run_scoped3A : memref<!tpu.dma_semaphore, #tpu.memory_space<semaphore_mem>>)
      %dma_wait3A = arith.constant 0 : i32
      %dma_wait3A_54 = arith.constant 0 : i32
      %dma_wait3A_55 = tpu.memref_slice %arg12[%dma_wait3A, %dma_wait3A_54] : memref<128x128xf32, #tpu.memory_space<vmem>> -> memref<112x128xf32, #tpu.memory_space<vmem>>
      %dma_wait3A_56 = arith.constant 0 : i32
      %dma_wait3A_57 = tpu.memref_slice %arg7[%add3A_23, %dma_wait3A_56] : memref<10000x128xf32, #tpu.memory_space<vmem_shared>> -> memref<112x128xf32, #tpu.memory_space<vmem_shared>>
      %dma_wait3A_58 = arith.constant 0 : i32
      %dma_wait3A_59 = tpu.memref_slice %arg7[%add3A_23, %dma_wait3A_58] : memref<10000x128xf32, #tpu.memory_space<vmem_shared>> -> memref<112x128xf32, #tpu.memory_space<vmem_shared>>
      %dma_wait3A_60 = arith.constant 0 : i32
      %dma_wait3A_61 = arith.constant 0 : i32
      %dma_wait3A_62 = tpu.memref_slice %arg12[%dma_wait3A_60, %dma_wait3A_61] : memref<128x128xf32, #tpu.memory_space<vmem>> -> memref<112x128xf32, #tpu.memory_space<vmem>>
      tpu.wait_dma2 semaphore(%run_scoped3A : memref<!tpu.dma_semaphore, #tpu.memory_space<semaphore_mem>>) src(%dma_wait3A_62 : memref<112x128xf32, #tpu.memory_space<vmem>>) dst(%dma_wait3A_59 : memref<112x128xf32, #tpu.memory_space<vmem_shared>>)
      tpu.yield
    }) : () -> ()
    %eq3A = arith.constant 15 : i32
    %eq3A_24 = arith.cmpi eq, %arg1, %eq3A : i32
    %convert_element_type3A = arith.extui %eq3A_24 : i1 to i32
    %cond3A = arith.constant 0 : i32
    %cond3A_25 = arith.cmpi ne, %convert_element_type3A, %cond3A : i32
    scf.if %cond3A_25 {
      "tpu.region"() ({
        %run_scoped3A = tpu.sem_alloc : memref<!tpu.dma_semaphore, #tpu.memory_space<semaphore_mem>>
        %dma_start3A = arith.constant 0 : i32
        %dma_start3A_45 = arith.constant 0 : i32
        %dma_start3A_46 = tpu.memref_slice %arg12[%dma_start3A, %dma_start3A_45] : memref<128x128xf32, #tpu.memory_space<vmem>> -> memref<16x128xf32, #tpu.memory_space<vmem>>
        %dma_start3A_47 = arith.constant 9984 : i32
        %dma_start3A_48 = arith.constant 0 : i32
        %dma_start3A_49 = tpu.memref_slice %arg7[%dma_start3A_47, %dma_start3A_48] : memref<10000x128xf32, #tpu.memory_space<vmem_shared>> -> memref<16x128xf32, #tpu.memory_space<vmem_shared>>
        %dma_start3A_50 = arith.constant 9984 : i32
        %dma_start3A_51 = arith.constant 0 : i32
        %dma_start3A_52 = tpu.memref_slice %arg7[%dma_start3A_50, %dma_start3A_51] : memref<10000x128xf32, #tpu.memory_space<vmem_shared>> -> memref<16x128xf32, #tpu.memory_space<vmem_shared>>
        %dma_start3A_53 = arith.constant 0 : i32
        %dma_start3A_54 = arith.constant 0 : i32
        %dma_start3A_55 = tpu.memref_slice %arg12[%dma_start3A_53, %dma_start3A_54] : memref<128x128xf32, #tpu.memory_space<vmem>> -> memref<16x128xf32, #tpu.memory_space<vmem>>
        tpu.enqueue_dma source(%dma_start3A_55 : memref<16x128xf32, #tpu.memory_space<vmem>>) target(%dma_start3A_52 : memref<16x128xf32, #tpu.memory_space<vmem_shared>>) target_semaphore(%run_scoped3A : memref<!tpu.dma_semaphore, #tpu.memory_space<semaphore_mem>>)
        %dma_wait3A = arith.constant 0 : i32
        %dma_wait3A_56 = arith.constant 0 : i32
        %dma_wait3A_57 = tpu.memref_slice %arg12[%dma_wait3A, %dma_wait3A_56] : memref<128x128xf32, #tpu.memory_space<vmem>> -> memref<16x128xf32, #tpu.memory_space<vmem>>
        %dma_wait3A_58 = arith.constant 9984 : i32
        %dma_wait3A_59 = arith.constant 0 : i32
        %dma_wait3A_60 = tpu.memref_slice %arg7[%dma_wait3A_58, %dma_wait3A_59] : memref<10000x128xf32, #tpu.memory_space<vmem_shared>> -> memref<16x128xf32, #tpu.memory_space<vmem_shared>>
        %dma_wait3A_61 = arith.constant 9984 : i32
        %dma_wait3A_62 = arith.constant 0 : i32
        %dma_wait3A_63 = tpu.memref_slice %arg7[%dma_wait3A_61, %dma_wait3A_62] : memref<10000x128xf32, #tpu.memory_space<vmem_shared>> -> memref<16x128xf32, #tpu.memory_space<vmem_shared>>
        %dma_wait3A_64 = arith.constant 0 : i32
        %dma_wait3A_65 = arith.constant 0 : i32
        %dma_wait3A_66 = tpu.memref_slice %arg12[%dma_wait3A_64, %dma_wait3A_65] : memref<128x128xf32, #tpu.memory_space<vmem>> -> memref<16x128xf32, #tpu.memory_space<vmem>>
        tpu.wait_dma2 semaphore(%run_scoped3A : memref<!tpu.dma_semaphore, #tpu.memory_space<semaphore_mem>>) src(%dma_wait3A_66 : memref<16x128xf32, #tpu.memory_space<vmem>>) dst(%dma_wait3A_63 : memref<16x128xf32, #tpu.memory_space<vmem_shared>>)
        tpu.yield
      }) : () -> ()
    } else {
    }
    %barrier3A = arith.constant 0 : index
    tpu.barrier barrier_id(%barrier3A)
    %eq3A_26 = arith.constant 1 : i32
    %eq3A_27 = arith.cmpi eq, %arg0, %eq3A_26 : i32
    %broadcast_in_dim3A = vector.broadcast %eq3A_27 : i1 to vector<16xi1>
    %scan3A_28 = arith.constant 0 : i32
    %scan3A_29 = arith.constant 0 : i32
    %scan3A_30 = arith.constant 20 : i32
    %scan3A_31 = arith.addi %scan3A_29, %scan3A_30 : i32
    %scan3A_32 = arith.constant 1 : i32
    %scan3A_33 = scf.for %scan3A_45 = %scan3A_29 to %scan3A_31 step %scan3A_32 iter_args(%scan3A_46 = %scan3A_28) -> (i32)  : i32 {
      %mul3A_47 = arith.constant 8 : i32
      %mul3A_48 = arith.muli %scan3A_45, %mul3A_47 : i32
      "tpu.region"() ({
        %run_scoped3A = tpu.sem_alloc : memref<!tpu.dma_semaphore, #tpu.memory_space<semaphore_mem>>
        %dma_start3A = arith.constant 0 : i32
        %dma_start3A_61 = tpu.memref_slice %arg3[%arg1, %mul3A_48, %dma_start3A] : memref<16x160x128xi32, #tpu.memory_space<hbm>> -> memref<1x8x128xi32, #tpu.memory_space<hbm>>
        %dma_start3A_62 = tpu.memref_squeeze %dma_start3A_61 : memref<1x8x128xi32, #tpu.memory_space<hbm>> -> memref<8x128xi32, #tpu.memory_space<hbm>>
        %dma_start3A_63 = arith.constant 0 : i32
        %dma_start3A_64 = tpu.memref_slice %arg3[%arg1, %mul3A_48, %dma_start3A_63] : memref<16x160x128xi32, #tpu.memory_space<hbm>> -> memref<1x8x128xi32, #tpu.memory_space<hbm>>
        %dma_start3A_65 = tpu.memref_squeeze %dma_start3A_64 : memref<1x8x128xi32, #tpu.memory_space<hbm>> -> memref<8x128xi32, #tpu.memory_space<hbm>>
        tpu.enqueue_dma source(%dma_start3A_65 : memref<8x128xi32, #tpu.memory_space<hbm>>) target(%arg8 : memref<8x128xi32, #tpu.memory_space<vmem>>) target_semaphore(%run_scoped3A : memref<!tpu.dma_semaphore, #tpu.memory_space<semaphore_mem>>)
        %dma_wait3A = arith.constant 0 : i32
        %dma_wait3A_66 = tpu.memref_slice %arg3[%arg1, %mul3A_48, %dma_wait3A] : memref<16x160x128xi32, #tpu.memory_space<hbm>> -> memref<1x8x128xi32, #tpu.memory_space<hbm>>
        %dma_wait3A_67 = tpu.memref_squeeze %dma_wait3A_66 : memref<1x8x128xi32, #tpu.memory_space<hbm>> -> memref<8x128xi32, #tpu.memory_space<hbm>>
        %dma_wait3A_68 = arith.constant 0 : i32
        %dma_wait3A_69 = tpu.memref_slice %arg3[%arg1, %mul3A_48, %dma_wait3A_68] : memref<16x160x128xi32, #tpu.memory_space<hbm>> -> memref<1x8x128xi32, #tpu.memory_space<hbm>>
        %dma_wait3A_70 = tpu.memref_squeeze %dma_wait3A_69 : memref<1x8x128xi32, #tpu.memory_space<hbm>> -> memref<8x128xi32, #tpu.memory_space<hbm>>
        tpu.wait_dma2 semaphore(%run_scoped3A : memref<!tpu.dma_semaphore, #tpu.memory_space<semaphore_mem>>) src(%dma_wait3A_70 : memref<8x128xi32, #tpu.memory_space<hbm>>) dst(%arg8 : memref<8x128xi32, #tpu.memory_space<vmem>>)
        tpu.yield
      }) : () -> ()
      %mul3A_49 = arith.constant 8 : i32
      %mul3A_50 = arith.muli %scan3A_45, %mul3A_49 : i32
      "tpu.region"() ({
        %run_scoped3A = tpu.sem_alloc : memref<!tpu.dma_semaphore, #tpu.memory_space<semaphore_mem>>
        %dma_start3A = arith.constant 0 : i32
        %dma_start3A_61 = tpu.memref_slice %arg4[%arg1, %mul3A_50, %dma_start3A] : memref<16x160x128xi32, #tpu.memory_space<hbm>> -> memref<1x8x128xi32, #tpu.memory_space<hbm>>
        %dma_start3A_62 = tpu.memref_squeeze %dma_start3A_61 : memref<1x8x128xi32, #tpu.memory_space<hbm>> -> memref<8x128xi32, #tpu.memory_space<hbm>>
        %dma_start3A_63 = arith.constant 0 : i32
        %dma_start3A_64 = tpu.memref_slice %arg4[%arg1, %mul3A_50, %dma_start3A_63] : memref<16x160x128xi32, #tpu.memory_space<hbm>> -> memref<1x8x128xi32, #tpu.memory_space<hbm>>
        %dma_start3A_65 = tpu.memref_squeeze %dma_start3A_64 : memref<1x8x128xi32, #tpu.memory_space<hbm>> -> memref<8x128xi32, #tpu.memory_space<hbm>>
        tpu.enqueue_dma source(%dma_start3A_65 : memref<8x128xi32, #tpu.memory_space<hbm>>) target(%arg9 : memref<8x128xi32, #tpu.memory_space<vmem>>) target_semaphore(%run_scoped3A : memref<!tpu.dma_semaphore, #tpu.memory_space<semaphore_mem>>)
        %dma_wait3A = arith.constant 0 : i32
        %dma_wait3A_66 = tpu.memref_slice %arg4[%arg1, %mul3A_50, %dma_wait3A] : memref<16x160x128xi32, #tpu.memory_space<hbm>> -> memref<1x8x128xi32, #tpu.memory_space<hbm>>
        %dma_wait3A_67 = tpu.memref_squeeze %dma_wait3A_66 : memref<1x8x128xi32, #tpu.memory_space<hbm>> -> memref<8x128xi32, #tpu.memory_space<hbm>>
        %dma_wait3A_68 = arith.constant 0 : i32
        %dma_wait3A_69 = tpu.memref_slice %arg4[%arg1, %mul3A_50, %dma_wait3A_68] : memref<16x160x128xi32, #tpu.memory_space<hbm>> -> memref<1x8x128xi32, #tpu.memory_space<hbm>>
        %dma_wait3A_70 = tpu.memref_squeeze %dma_wait3A_69 : memref<1x8x128xi32, #tpu.memory_space<hbm>> -> memref<8x128xi32, #tpu.memory_space<hbm>>
        tpu.wait_dma2 semaphore(%run_scoped3A : memref<!tpu.dma_semaphore, #tpu.memory_space<semaphore_mem>>) src(%dma_wait3A_70 : memref<8x128xi32, #tpu.memory_space<hbm>>) dst(%arg9 : memref<8x128xi32, #tpu.memory_space<vmem>>)
        tpu.yield
      }) : () -> ()
      %mul3A_51 = arith.constant 8 : i32
      %mul3A_52 = arith.muli %scan3A_45, %mul3A_51 : i32
      "tpu.region"() ({
        %run_scoped3A = tpu.sem_alloc : memref<!tpu.dma_semaphore, #tpu.memory_space<semaphore_mem>>
        %dma_start3A = arith.constant 0 : i32
        %dma_start3A_61 = tpu.memref_slice %arg5[%arg1, %mul3A_52, %dma_start3A] : memref<16x160x128xf32, #tpu.memory_space<hbm>> -> memref<1x8x128xf32, #tpu.memory_space<hbm>>
        %dma_start3A_62 = tpu.memref_squeeze %dma_start3A_61 : memref<1x8x128xf32, #tpu.memory_space<hbm>> -> memref<8x128xf32, #tpu.memory_space<hbm>>
        %dma_start3A_63 = arith.constant 0 : i32
        %dma_start3A_64 = tpu.memref_slice %arg5[%arg1, %mul3A_52, %dma_start3A_63] : memref<16x160x128xf32, #tpu.memory_space<hbm>> -> memref<1x8x128xf32, #tpu.memory_space<hbm>>
        %dma_start3A_65 = tpu.memref_squeeze %dma_start3A_64 : memref<1x8x128xf32, #tpu.memory_space<hbm>> -> memref<8x128xf32, #tpu.memory_space<hbm>>
        tpu.enqueue_dma source(%dma_start3A_65 : memref<8x128xf32, #tpu.memory_space<hbm>>) target(%arg10 : memref<8x128xf32, #tpu.memory_space<vmem>>) target_semaphore(%run_scoped3A : memref<!tpu.dma_semaphore, #tpu.memory_space<semaphore_mem>>)
        %dma_wait3A = arith.constant 0 : i32
        %dma_wait3A_66 = tpu.memref_slice %arg5[%arg1, %mul3A_52, %dma_wait3A] : memref<16x160x128xf32, #tpu.memory_space<hbm>> -> memref<1x8x128xf32, #tpu.memory_space<hbm>>
        %dma_wait3A_67 = tpu.memref_squeeze %dma_wait3A_66 : memref<1x8x128xf32, #tpu.memory_space<hbm>> -> memref<8x128xf32, #tpu.memory_space<hbm>>
        %dma_wait3A_68 = arith.constant 0 : i32
        %dma_wait3A_69 = tpu.memref_slice %arg5[%arg1, %mul3A_52, %dma_wait3A_68] : memref<16x160x128xf32, #tpu.memory_space<hbm>> -> memref<1x8x128xf32, #tpu.memory_space<hbm>>
        %dma_wait3A_70 = tpu.memref_squeeze %dma_wait3A_69 : memref<1x8x128xf32, #tpu.memory_space<hbm>> -> memref<8x128xf32, #tpu.memory_space<hbm>>
        tpu.wait_dma2 semaphore(%run_scoped3A : memref<!tpu.dma_semaphore, #tpu.memory_space<semaphore_mem>>) src(%dma_wait3A_70 : memref<8x128xf32, #tpu.memory_space<hbm>>) dst(%arg10 : memref<8x128xf32, #tpu.memory_space<vmem>>)
        tpu.yield
      }) : () -> ()
      %scan3A_53 = arith.constant 0 : i32
      %scan3A_54 = arith.constant 0 : i32
      %scan3A_55 = arith.constant 8 : i32
      %scan3A_56 = arith.addi %scan3A_54, %scan3A_55 : i32
      %scan3A_57 = arith.constant 1 : i32
      %scan3A_58 = scf.for %scan3A_61 = %scan3A_54 to %scan3A_56 step %scan3A_57 iter_args(%scan3A_62 = %scan3A_53) -> (i32)  : i32 {
        %dma_start3A = arith.constant 0 : i32
        %dma_start3A_63 = tpu.memref_slice %arg9[%scan3A_61, %dma_start3A] : memref<8x128xi32, #tpu.memory_space<vmem>> -> memref<1x128xi32, #tpu.memory_space<vmem>>
        %dma_start3A_64 = tpu.memref_squeeze %dma_start3A_63 : memref<1x128xi32, #tpu.memory_space<vmem>> -> memref<128xi32, #tpu.memory_space<vmem>>
        %dma_start3A_65 = arith.constant 0 : i32
        %dma_start3A_66 = arith.constant 0 : i32
        %dma_start3A_67 = tpu.memref_slice %arg2[%dma_start3A_65, %dma_start3A_66] : memref<10000x128xf32, #tpu.memory_space<hbm>> -> memref<10000x128xf32, #tpu.memory_space<hbm>>
        tpu.enqueue_indirect_dma source(%dma_start3A_67 : memref<10000x128xf32, #tpu.memory_space<hbm>>) target(%arg11 : memref<128x128xf32, #tpu.memory_space<vmem>>) offsets(%dma_start3A_64 : memref<128xi32, #tpu.memory_space<vmem>>) semaphore(%arg13 : memref<!tpu.dma_semaphore, #tpu.memory_space<semaphore_mem>>)
        %dma_wait3A = arith.constant 0 : i32
        %dma_wait3A_68 = tpu.memref_slice %arg9[%scan3A_61, %dma_wait3A] : memref<8x128xi32, #tpu.memory_space<vmem>> -> memref<1x128xi32, #tpu.memory_space<vmem>>
        %dma_wait3A_69 = tpu.memref_squeeze %dma_wait3A_68 : memref<1x128xi32, #tpu.memory_space<vmem>> -> memref<128xi32, #tpu.memory_space<vmem>>
        %dma_wait3A_70 = arith.constant 0 : i32
        %dma_wait3A_71 = arith.constant 0 : i32
        %dma_wait3A_72 = tpu.memref_slice %arg2[%dma_wait3A_70, %dma_wait3A_71] : memref<10000x128xf32, #tpu.memory_space<hbm>> -> memref<10000x128xf32, #tpu.memory_space<hbm>>
        tpu.wait_indirect_dma semaphore(%arg13 : memref<!tpu.dma_semaphore, #tpu.memory_space<semaphore_mem>>) src(%dma_wait3A_72 : memref<10000x128xf32, #tpu.memory_space<hbm>>) dst(%arg11 : memref<128x128xf32, #tpu.memory_space<vmem>>)
        %scan3A_73 = arith.constant 0 : i32
        %scan3A_74 = arith.constant 0 : i32
        %scan3A_75 = arith.constant 128 : i32
        %scan3A_76 = arith.addi %scan3A_74, %scan3A_75 : i32
        %scan3A_77 = arith.constant 1 : i32
        %scan3A_78 = scf.for %scan3A_81 = %scan3A_74 to %scan3A_76 step %scan3A_77 iter_args(%scan3A_82 = %scan3A_73) -> (i32)  : i32 {
          %broadcast_in_dim3A_83 = vector.broadcast %scan3A_61 : i32 to vector<16xi32>
          %broadcast_in_dim3A_84 = vector.broadcast %scan3A_81 : i32 to vector<16xi32>
          %gather3A = tpu.vector_load_idx %arg10[%broadcast_in_dim3A_83, %broadcast_in_dim3A_84] : memref<8x128xf32, #tpu.memory_space<vmem>>[vector<16xi32>, vector<16xi32>], vector<16xf32>,
          %get3A = arith.index_cast %scan3A_81 : i32 to index
          %get3A_85 = arith.constant 0 : index
          %get3A_86 = tpu.vector_load %arg11[%get3A, %get3A_85] {strides = array<i32>} : memref<128x128xf32, #tpu.memory_space<vmem>>, vector<16xf32>,
          %mul3A_87 = arith.mulf %get3A_86, %get3A_86 : vector<16xf32>
          %select_n3A = arith.select %broadcast_in_dim3A, %mul3A_87, %get3A_86 : vector<16xi1>, vector<16xf32>
          %mul3A_88 = arith.mulf %select_n3A, %gather3A : vector<16xf32>
          %swap3A = arith.index_cast %scan3A_81 : i32 to index
          %swap3A_89 = arith.constant 0 : index
          %swap3A_90 = tpu.vector_load %arg12[%swap3A, %swap3A_89] {strides = array<i32>} : memref<128x128xf32, #tpu.memory_space<vmem>>, vector<16xf32>,
          tpu.vector_store %arg12[%swap3A, %swap3A_89], %mul3A_88 {strides = array<i32>} : memref<128x128xf32, #tpu.memory_space<vmem>>, vector<16xf32>,
          %get3A_91 = arith.index_cast %scan3A_81 : i32 to index
          %get3A_92 = arith.constant 16 : index
          %get3A_93 = tpu.vector_load %arg11[%get3A_91, %get3A_92] {strides = array<i32>} : memref<128x128xf32, #tpu.memory_space<vmem>>, vector<16xf32>,
          %mul3A_94 = arith.mulf %get3A_93, %get3A_93 : vector<16xf32>
          %select_n3A_95 = arith.select %broadcast_in_dim3A, %mul3A_94, %get3A_93 : vector<16xi1>, vector<16xf32>
          %mul3A_96 = arith.mulf %select_n3A_95, %gather3A : vector<16xf32>
          %swap3A_97 = arith.index_cast %scan3A_81 : i32 to index
          %swap3A_98 = arith.constant 16 : index
          %swap3A_99 = tpu.vector_load %arg12[%swap3A_97, %swap3A_98] {strides = array<i32>} : memref<128x128xf32, #tpu.memory_space<vmem>>, vector<16xf32>,
          tpu.vector_store %arg12[%swap3A_97, %swap3A_98], %mul3A_96 {strides = array<i32>} : memref<128x128xf32, #tpu.memory_space<vmem>>, vector<16xf32>,
          %get3A_100 = arith.index_cast %scan3A_81 : i32 to index
          %get3A_101 = arith.constant 32 : index
          %get3A_102 = tpu.vector_load %arg11[%get3A_100, %get3A_101] {strides = array<i32>} : memref<128x128xf32, #tpu.memory_space<vmem>>, vector<16xf32>,
          %mul3A_103 = arith.mulf %get3A_102, %get3A_102 : vector<16xf32>
          %select_n3A_104 = arith.select %broadcast_in_dim3A, %mul3A_103, %get3A_102 : vector<16xi1>, vector<16xf32>
          %mul3A_105 = arith.mulf %select_n3A_104, %gather3A : vector<16xf32>
          %swap3A_106 = arith.index_cast %scan3A_81 : i32 to index
          %swap3A_107 = arith.constant 32 : index
          %swap3A_108 = tpu.vector_load %arg12[%swap3A_106, %swap3A_107] {strides = array<i32>} : memref<128x128xf32, #tpu.memory_space<vmem>>, vector<16xf32>,
          tpu.vector_store %arg12[%swap3A_106, %swap3A_107], %mul3A_105 {strides = array<i32>} : memref<128x128xf32, #tpu.memory_space<vmem>>, vector<16xf32>,
          %get3A_109 = arith.index_cast %scan3A_81 : i32 to index
          %get3A_110 = arith.constant 48 : index
          %get3A_111 = tpu.vector_load %arg11[%get3A_109, %get3A_110] {strides = array<i32>} : memref<128x128xf32, #tpu.memory_space<vmem>>, vector<16xf32>,
          %mul3A_112 = arith.mulf %get3A_111, %get3A_111 : vector<16xf32>
          %select_n3A_113 = arith.select %broadcast_in_dim3A, %mul3A_112, %get3A_111 : vector<16xi1>, vector<16xf32>
          %mul3A_114 = arith.mulf %select_n3A_113, %gather3A : vector<16xf32>
          %swap3A_115 = arith.index_cast %scan3A_81 : i32 to index
          %swap3A_116 = arith.constant 48 : index
          %swap3A_117 = tpu.vector_load %arg12[%swap3A_115, %swap3A_116] {strides = array<i32>} : memref<128x128xf32, #tpu.memory_space<vmem>>, vector<16xf32>,
          tpu.vector_store %arg12[%swap3A_115, %swap3A_116], %mul3A_114 {strides = array<i32>} : memref<128x128xf32, #tpu.memory_space<vmem>>, vector<16xf32>,
          %get3A_118 = arith.index_cast %scan3A_81 : i32 to index
          %get3A_119 = arith.constant 64 : index
          %get3A_120 = tpu.vector_load %arg11[%get3A_118, %get3A_119] {strides = array<i32>} : memref<128x128xf32, #tpu.memory_space<vmem>>, vector<16xf32>,
          %mul3A_121 = arith.mulf %get3A_120, %get3A_120 : vector<16xf32>
          %select_n3A_122 = arith.select %broadcast_in_dim3A, %mul3A_121, %get3A_120 : vector<16xi1>, vector<16xf32>
          %mul3A_123 = arith.mulf %select_n3A_122, %gather3A : vector<16xf32>
          %swap3A_124 = arith.index_cast %scan3A_81 : i32 to index
          %swap3A_125 = arith.constant 64 : index
          %swap3A_126 = tpu.vector_load %arg12[%swap3A_124, %swap3A_125] {strides = array<i32>} : memref<128x128xf32, #tpu.memory_space<vmem>>, vector<16xf32>,
          tpu.vector_store %arg12[%swap3A_124, %swap3A_125], %mul3A_123 {strides = array<i32>} : memref<128x128xf32, #tpu.memory_space<vmem>>, vector<16xf32>,
          %get3A_127 = arith.index_cast %scan3A_81 : i32 to index
          %get3A_128 = arith.constant 80 : index
          %get3A_129 = tpu.vector_load %arg11[%get3A_127, %get3A_128] {strides = array<i32>} : memref<128x128xf32, #tpu.memory_space<vmem>>, vector<16xf32>,
          %mul3A_130 = arith.mulf %get3A_129, %get3A_129 : vector<16xf32>
          %select_n3A_131 = arith.select %broadcast_in_dim3A, %mul3A_130, %get3A_129 : vector<16xi1>, vector<16xf32>
          %mul3A_132 = arith.mulf %select_n3A_131, %gather3A : vector<16xf32>
          %swap3A_133 = arith.index_cast %scan3A_81 : i32 to index
          %swap3A_134 = arith.constant 80 : index
          %swap3A_135 = tpu.vector_load %arg12[%swap3A_133, %swap3A_134] {strides = array<i32>} : memref<128x128xf32, #tpu.memory_space<vmem>>, vector<16xf32>,
          tpu.vector_store %arg12[%swap3A_133, %swap3A_134], %mul3A_132 {strides = array<i32>} : memref<128x128xf32, #tpu.memory_space<vmem>>, vector<16xf32>,
          %get3A_136 = arith.index_cast %scan3A_81 : i32 to index
          %get3A_137 = arith.constant 96 : index
          %get3A_138 = tpu.vector_load %arg11[%get3A_136, %get3A_137] {strides = array<i32>} : memref<128x128xf32, #tpu.memory_space<vmem>>, vector<16xf32>,
          %mul3A_139 = arith.mulf %get3A_138, %get3A_138 : vector<16xf32>
          %select_n3A_140 = arith.select %broadcast_in_dim3A, %mul3A_139, %get3A_138 : vector<16xi1>, vector<16xf32>
          %mul3A_141 = arith.mulf %select_n3A_140, %gather3A : vector<16xf32>
          %swap3A_142 = arith.index_cast %scan3A_81 : i32 to index
          %swap3A_143 = arith.constant 96 : index
          %swap3A_144 = tpu.vector_load %arg12[%swap3A_142, %swap3A_143] {strides = array<i32>} : memref<128x128xf32, #tpu.memory_space<vmem>>, vector<16xf32>,
          tpu.vector_store %arg12[%swap3A_142, %swap3A_143], %mul3A_141 {strides = array<i32>} : memref<128x128xf32, #tpu.memory_space<vmem>>, vector<16xf32>,
          %get3A_145 = arith.index_cast %scan3A_81 : i32 to index
          %get3A_146 = arith.constant 112 : index
          %get3A_147 = tpu.vector_load %arg11[%get3A_145, %get3A_146] {strides = array<i32>} : memref<128x128xf32, #tpu.memory_space<vmem>>, vector<16xf32>,
          %mul3A_148 = arith.mulf %get3A_147, %get3A_147 : vector<16xf32>
          %select_n3A_149 = arith.select %broadcast_in_dim3A, %mul3A_148, %get3A_147 : vector<16xi1>, vector<16xf32>
          %mul3A_150 = arith.mulf %select_n3A_149, %gather3A : vector<16xf32>
          %swap3A_151 = arith.index_cast %scan3A_81 : i32 to index
          %swap3A_152 = arith.constant 112 : index
          %swap3A_153 = tpu.vector_load %arg12[%swap3A_151, %swap3A_152] {strides = array<i32>} : memref<128x128xf32, #tpu.memory_space<vmem>>, vector<16xf32>,
          tpu.vector_store %arg12[%swap3A_151, %swap3A_152], %mul3A_150 {strides = array<i32>} : memref<128x128xf32, #tpu.memory_space<vmem>>, vector<16xf32>,
          %scan3A_154 = arith.constant 0 : i32
          scf.yield %scan3A_154 : i32
        }
        %scan3A_79 = arith.constant 128 : i32
        "tpu.region"() ({
          %run_scoped3A = tpu.sem_alloc : memref<!tpu.dma_semaphore, #tpu.memory_space<semaphore_mem>>
          %dma_start3A_81 = arith.constant 0 : i32
          %dma_start3A_82 = tpu.memref_slice %arg8[%scan3A_61, %dma_start3A_81] : memref<8x128xi32, #tpu.memory_space<vmem>> -> memref<1x128xi32, #tpu.memory_space<vmem>>
          %dma_start3A_83 = tpu.memref_squeeze %dma_start3A_82 : memref<1x128xi32, #tpu.memory_space<vmem>> -> memref<128xi32, #tpu.memory_space<vmem>>
          %dma_start3A_84 = arith.constant 0 : i32
          %dma_start3A_85 = arith.constant 0 : i32
          %dma_start3A_86 = tpu.memref_slice %arg7[%dma_start3A_84, %dma_start3A_85] : memref<10000x128xf32, #tpu.memory_space<vmem_shared>> -> memref<10000x128xf32, #tpu.memory_space<vmem_shared>>
          tpu.enqueue_indirect_dma source(%arg12 : memref<128x128xf32, #tpu.memory_space<vmem>>) target(%dma_start3A_86 : memref<10000x128xf32, #tpu.memory_space<vmem_shared>>) offsets(%dma_start3A_83 : memref<128xi32, #tpu.memory_space<vmem>>) semaphore(%run_scoped3A : memref<!tpu.dma_semaphore, #tpu.memory_space<semaphore_mem>>) {add = true}
          %dma_wait3A_87 = arith.constant 0 : i32
          %dma_wait3A_88 = tpu.memref_slice %arg8[%scan3A_61, %dma_wait3A_87] : memref<8x128xi32, #tpu.memory_space<vmem>> -> memref<1x128xi32, #tpu.memory_space<vmem>>
          %dma_wait3A_89 = tpu.memref_squeeze %dma_wait3A_88 : memref<1x128xi32, #tpu.memory_space<vmem>> -> memref<128xi32, #tpu.memory_space<vmem>>
          %dma_wait3A_90 = arith.constant 0 : i32
          %dma_wait3A_91 = arith.constant 0 : i32
          %dma_wait3A_92 = tpu.memref_slice %arg7[%dma_wait3A_90, %dma_wait3A_91] : memref<10000x128xf32, #tpu.memory_space<vmem_shared>> -> memref<10000x128xf32, #tpu.memory_space<vmem_shared>>
          tpu.wait_indirect_dma semaphore(%run_scoped3A : memref<!tpu.dma_semaphore, #tpu.memory_space<semaphore_mem>>) src(%arg12 : memref<128x128xf32, #tpu.memory_space<vmem>>) dst(%dma_wait3A_92 : memref<10000x128xf32, #tpu.memory_space<vmem_shared>>)
          tpu.yield
        }) : () -> ()
        %scan3A_80 = arith.constant 0 : i32
        scf.yield %scan3A_80 : i32
      }
      %scan3A_59 = arith.constant 8 : i32
      %scan3A_60 = arith.constant 0 : i32
      scf.yield %scan3A_60 : i32
    }
    %scan3A_34 = arith.constant 20 : i32
    %barrier3A_35 = arith.constant 0 : index
    tpu.barrier barrier_id(%barrier3A_35)
    %mul3A_36 = arith.constant 624 : i32
    %mul3A_37 = arith.muli %arg1, %mul3A_36 : i32
    %mul3A_38 = arith.constant 624 : i32
    %mul3A_39 = arith.muli %arg1, %mul3A_38 : i32
    "tpu.region"() ({
      %run_scoped3A = tpu.sem_alloc : memref<!tpu.dma_semaphore, #tpu.memory_space<semaphore_mem>>
      %dma_start3A = arith.constant 0 : i32
      %dma_start3A_45 = tpu.memref_slice %arg6[%arg0, %mul3A_39, %dma_start3A] : memref<2x10000x128xf32, #tpu.memory_space<hbm>> -> memref<1x624x128xf32, #tpu.memory_space<hbm>>
      %dma_start3A_46 = tpu.memref_squeeze %dma_start3A_45 : memref<1x624x128xf32, #tpu.memory_space<hbm>> -> memref<624x128xf32, #tpu.memory_space<hbm>>
      %dma_start3A_47 = arith.constant 0 : i32
      %dma_start3A_48 = tpu.memref_slice %arg7[%mul3A_37, %dma_start3A_47] : memref<10000x128xf32, #tpu.memory_space<vmem_shared>> -> memref<624x128xf32, #tpu.memory_space<vmem_shared>>
      tpu.enqueue_dma source(%dma_start3A_48 : memref<624x128xf32, #tpu.memory_space<vmem_shared>>) target(%dma_start3A_46 : memref<624x128xf32, #tpu.memory_space<hbm>>) target_semaphore(%run_scoped3A : memref<!tpu.dma_semaphore, #tpu.memory_space<semaphore_mem>>)
      %dma_wait3A = arith.constant 0 : i32
      %dma_wait3A_49 = tpu.memref_slice %arg6[%arg0, %mul3A_39, %dma_wait3A] : memref<2x10000x128xf32, #tpu.memory_space<hbm>> -> memref<1x624x128xf32, #tpu.memory_space<hbm>>
      %dma_wait3A_50 = tpu.memref_squeeze %dma_wait3A_49 : memref<1x624x128xf32, #tpu.memory_space<hbm>> -> memref<624x128xf32, #tpu.memory_space<hbm>>
      %dma_wait3A_51 = arith.constant 0 : i32
      %dma_wait3A_52 = tpu.memref_slice %arg7[%mul3A_37, %dma_wait3A_51] : memref<10000x128xf32, #tpu.memory_space<vmem_shared>> -> memref<624x128xf32, #tpu.memory_space<vmem_shared>>
      tpu.wait_dma2 semaphore(%run_scoped3A : memref<!tpu.dma_semaphore, #tpu.memory_space<semaphore_mem>>) src(%dma_wait3A_52 : memref<624x128xf32, #tpu.memory_space<vmem_shared>>) dst(%dma_wait3A_50 : memref<624x128xf32, #tpu.memory_space<hbm>>)
      tpu.yield
    }) : () -> ()
    %eq3A_40 = arith.constant 15 : i32
    %eq3A_41 = arith.cmpi eq, %arg1, %eq3A_40 : i32
    %convert_element_type3A_42 = arith.extui %eq3A_41 : i1 to i32
    %cond3A_43 = arith.constant 0 : i32
    %cond3A_44 = arith.cmpi ne, %convert_element_type3A_42, %cond3A_43 : i32
    scf.if %cond3A_44 {
      "tpu.region"() ({
        %run_scoped3A = tpu.sem_alloc : memref<!tpu.dma_semaphore, #tpu.memory_space<semaphore_mem>>
        %dma_start3A = arith.constant 9984 : i32
        %dma_start3A_45 = arith.constant 0 : i32
        %dma_start3A_46 = tpu.memref_slice %arg6[%arg0, %dma_start3A, %dma_start3A_45] : memref<2x10000x128xf32, #tpu.memory_space<hbm>> -> memref<1x16x128xf32, #tpu.memory_space<hbm>>
        %dma_start3A_47 = tpu.memref_squeeze %dma_start3A_46 : memref<1x16x128xf32, #tpu.memory_space<hbm>> -> memref<16x128xf32, #tpu.memory_space<hbm>>
        %dma_start3A_48 = arith.constant 9984 : i32
        %dma_start3A_49 = arith.constant 0 : i32
        %dma_start3A_50 = tpu.memref_slice %arg7[%dma_start3A_48, %dma_start3A_49] : memref<10000x128xf32, #tpu.memory_space<vmem_shared>> -> memref<16x128xf32, #tpu.memory_space<vmem_shared>>
        tpu.enqueue_dma source(%dma_start3A_50 : memref<16x128xf32, #tpu.memory_space<vmem_shared>>) target(%dma_start3A_47 : memref<16x128xf32, #tpu.memory_space<hbm>>) target_semaphore(%run_scoped3A : memref<!tpu.dma_semaphore, #tpu.memory_space<semaphore_mem>>)
        %dma_wait3A = arith.constant 9984 : i32
        %dma_wait3A_51 = arith.constant 0 : i32
        %dma_wait3A_52 = tpu.memref_slice %arg6[%arg0, %dma_wait3A, %dma_wait3A_51] : memref<2x10000x128xf32, #tpu.memory_space<hbm>> -> memref<1x16x128xf32, #tpu.memory_space<hbm>>
        %dma_wait3A_53 = tpu.memref_squeeze %dma_wait3A_52 : memref<1x16x128xf32, #tpu.memory_space<hbm>> -> memref<16x128xf32, #tpu.memory_space<hbm>>
        %dma_wait3A_54 = arith.constant 9984 : i32
        %dma_wait3A_55 = arith.constant 0 : i32
        %dma_wait3A_56 = tpu.memref_slice %arg7[%dma_wait3A_54, %dma_wait3A_55] : memref<10000x128xf32, #tpu.memory_space<vmem_shared>> -> memref<16x128xf32, #tpu.memory_space<vmem_shared>>
        tpu.wait_dma2 semaphore(%run_scoped3A : memref<!tpu.dma_semaphore, #tpu.memory_space<semaphore_mem>>) src(%dma_wait3A_56 : memref<16x128xf32, #tpu.memory_space<vmem_shared>>) dst(%dma_wait3A_53 : memref<16x128xf32, #tpu.memory_space<hbm>>)
        tpu.yield
      }) : () -> ()
    } else {
    }
    return
  }
}

module attributes {stable_mosaic.version = 14 : i64} {
  func.func @_tc_mlp_body(%arg0: i32, %arg1: memref<1000x128xf32, #tpu.memory_space<vmem>>, %arg2: memref<2x1000x128xf32, #tpu.memory_space<vmem>>, %arg3: memref<128x128xf32, #tpu.memory_space<vmem>>, %arg4: memref<1x128xf32, #tpu.memory_space<vmem>>, %arg5: memref<128x128xf32, #tpu.memory_space<vmem>>, %arg6: memref<1x128xf32, #tpu.memory_space<vmem>>, %arg7: memref<128x128xf32, #tpu.memory_space<vmem>>, %arg8: memref<1x128xf32, #tpu.memory_space<vmem>>, %arg9: memref<128x128xf32, #tpu.memory_space<vmem>>, %arg10: memref<1x128xf32, #tpu.memory_space<vmem>>, %arg11: memref<1000x256xf32, #tpu.memory_space<vmem>>) attributes {dimension_semantics = [#tpu.dimension_semantics<arbitrary>], iteration_bounds = array<i64: 10>, scalar_prefetch = 0 : i64, scratch_operands = 0 : i64, tpu.core_type = #tpu.core_type<tc>, window_params = [{transform_indices = @transform_0, window_bounds = array<i64: 1000, 128>}, {transform_indices = @transform_1, window_bounds = array<i64: 2, 1000, 128>}, {pipeline_mode = #tpu.pipeline_mode<synchronous>, transform_indices = @transform_2, window_bounds = array<i64: 128, 128>}, {pipeline_mode = #tpu.pipeline_mode<synchronous>, transform_indices = @transform_3, window_bounds = array<i64: 1, 128>}, {pipeline_mode = #tpu.pipeline_mode<synchronous>, transform_indices = @transform_4, window_bounds = array<i64: 128, 128>}, {pipeline_mode = #tpu.pipeline_mode<synchronous>, transform_indices = @transform_5, window_bounds = array<i64: 1, 128>}, {pipeline_mode = #tpu.pipeline_mode<synchronous>, transform_indices = @transform_6, window_bounds = array<i64: 128, 128>}, {pipeline_mode = #tpu.pipeline_mode<synchronous>, transform_indices = @transform_7, window_bounds = array<i64: 1, 128>}, {pipeline_mode = #tpu.pipeline_mode<synchronous>, transform_indices = @transform_8, window_bounds = array<i64: 128, 128>}, {pipeline_mode = #tpu.pipeline_mode<synchronous>, transform_indices = @transform_9, window_bounds = array<i64: 1, 128>}, {transform_indices = @transform_10, window_bounds = array<i64: 1000, 256>}]} {
    %get3A = arith.constant 0 : index
    %get3A_0 = arith.constant 0 : index
    %get3A_1 = vector.load %arg1[%get3A, %get3A_0] : memref<1000x128xf32, #tpu.memory_space<vmem>>, vector<1000x128xf32>
    %get3A_2 = arith.constant 0 : index
    %get3A_3 = arith.constant 0 : index
    %get3A_4 = arith.constant 0 : index
    %get3A_5 = vector.load %arg2[%get3A_2, %get3A_3, %get3A_4] : memref<2x1000x128xf32, #tpu.memory_space<vmem>>, vector<1x1000x128xf32>
    %get3A_6 = vector.shape_cast %get3A_5 : vector<1x1000x128xf32> to vector<1000x128xf32>
    %add3A = arith.addf %get3A_6, %get3A_1 : vector<1000x128xf32>
    %get3A_7 = arith.constant 0 : index
    %get3A_8 = arith.constant 0 : index
    %get3A_9 = vector.load %arg3[%get3A_7, %get3A_8] : memref<128x128xf32, #tpu.memory_space<vmem>>, vector<128x128xf32>
    %dot_general3A = arith.constant dense<0.000000e+00> : vector<1000x128xf32>
    %dot_general3A_10 = tpu.matmul %add3A, %get3A_9, %dot_general3A {dimension_numbers = #tpu.dot_dimension_numbers<[1], [0], [0], [1], [0, 0, 1, 1], [], []>, precision = #tpu.contract_precision<fp32>, transpose_lhs_hint = false} : vector<1000x128xf32>, vector<128x128xf32>, vector<1000x128xf32> -> vector<1000x128xf32>
    %get3A_11 = arith.constant 0 : index
    %get3A_12 = arith.constant 0 : index
    %get3A_13 = vector.load %arg4[%get3A_11, %get3A_12] : memref<1x128xf32, #tpu.memory_space<vmem>>, vector<1x128xf32>
    %add3A_14 = vector.broadcast %get3A_13 : vector<1x128xf32> to vector<1000x128xf32>
    %add3A_15 = arith.addf %dot_general3A_10, %add3A_14 : vector<1000x128xf32>
    %gt3A = arith.constant 0.000000e+00 : f32
    %gt3A_16 = vector.broadcast %gt3A : f32 to vector<1000x128xf32>
    %gt3A_17 = arith.cmpf ogt, %add3A_15, %gt3A_16 : vector<1000x128xf32>
    %exp3A = math.exp %add3A_15 : vector<1000x128xf32>
    %sub3A = arith.constant 1.000000e+00 : f32
    %sub3A_18 = vector.broadcast %sub3A : f32 to vector<1000x128xf32>
    %sub3A_19 = arith.subf %exp3A, %sub3A_18 : vector<1000x128xf32>
    %mul3A = arith.constant 1.67326319 : f32
    %mul3A_20 = vector.broadcast %mul3A : f32 to vector<1000x128xf32>
    %mul3A_21 = arith.mulf %mul3A_20, %sub3A_19 : vector<1000x128xf32>
    %select_n3A = arith.select %gt3A_17, %add3A_15, %mul3A_21 : vector<1000x128xi1>, vector<1000x128xf32>
    %mul3A_22 = arith.constant 1.05070102 : f32
    %mul3A_23 = vector.broadcast %mul3A_22 : f32 to vector<1000x128xf32>
    %mul3A_24 = arith.mulf %mul3A_23, %select_n3A : vector<1000x128xf32>
    %get3A_25 = arith.constant 0 : index
    %get3A_26 = arith.constant 0 : index
    %get3A_27 = vector.load %arg5[%get3A_25, %get3A_26] : memref<128x128xf32, #tpu.memory_space<vmem>>, vector<128x128xf32>
    %dot_general3A_28 = arith.constant dense<0.000000e+00> : vector<1000x128xf32>
    %dot_general3A_29 = tpu.matmul %mul3A_24, %get3A_27, %dot_general3A_28 {dimension_numbers = #tpu.dot_dimension_numbers<[1], [0], [0], [1], [0, 0, 1, 1], [], []>, precision = #tpu.contract_precision<fp32>, transpose_lhs_hint = false} : vector<1000x128xf32>, vector<128x128xf32>, vector<1000x128xf32> -> vector<1000x128xf32>
    %get3A_30 = arith.constant 0 : index
    %get3A_31 = arith.constant 0 : index
    %get3A_32 = vector.load %arg6[%get3A_30, %get3A_31] : memref<1x128xf32, #tpu.memory_space<vmem>>, vector<1x128xf32>
    %add3A_33 = vector.broadcast %get3A_32 : vector<1x128xf32> to vector<1000x128xf32>
    %add3A_34 = arith.addf %dot_general3A_29, %add3A_33 : vector<1000x128xf32>
    %gt3A_35 = arith.constant 0.000000e+00 : f32
    %gt3A_36 = vector.broadcast %gt3A_35 : f32 to vector<1000x128xf32>
    %gt3A_37 = arith.cmpf ogt, %add3A_34, %gt3A_36 : vector<1000x128xf32>
    %exp3A_38 = math.exp %add3A_34 : vector<1000x128xf32>
    %sub3A_39 = arith.constant 1.000000e+00 : f32
    %sub3A_40 = vector.broadcast %sub3A_39 : f32 to vector<1000x128xf32>
    %sub3A_41 = arith.subf %exp3A_38, %sub3A_40 : vector<1000x128xf32>
    %mul3A_42 = arith.constant 1.67326319 : f32
    %mul3A_43 = vector.broadcast %mul3A_42 : f32 to vector<1000x128xf32>
    %mul3A_44 = arith.mulf %mul3A_43, %sub3A_41 : vector<1000x128xf32>
    %select_n3A_45 = arith.select %gt3A_37, %add3A_34, %mul3A_44 : vector<1000x128xi1>, vector<1000x128xf32>
    %mul3A_46 = arith.constant 1.05070102 : f32
    %mul3A_47 = vector.broadcast %mul3A_46 : f32 to vector<1000x128xf32>
    %mul3A_48 = arith.mulf %mul3A_47, %select_n3A_45 : vector<1000x128xf32>
    %swap3A = arith.constant 0 : index
    %swap3A_49 = arith.constant 0 : index
    %swap3A_50 = vector.load %arg11[%swap3A, %swap3A_49] : memref<1000x256xf32, #tpu.memory_space<vmem>>, vector<1000x128xf32>
    tpu.vector_store %arg11[%swap3A, %swap3A_49], %mul3A_48 {strides = array<i32>} : memref<1000x256xf32, #tpu.memory_space<vmem>>, vector<1000x128xf32>,
    %mul3A_51 = arith.mulf %get3A_1, %get3A_1 : vector<1000x128xf32>
    %get3A_52 = arith.constant 1 : index
    %get3A_53 = arith.constant 0 : index
    %get3A_54 = arith.constant 0 : index
    %get3A_55 = vector.load %arg2[%get3A_52, %get3A_53, %get3A_54] : memref<2x1000x128xf32, #tpu.memory_space<vmem>>, vector<1x1000x128xf32>
    %get3A_56 = vector.shape_cast %get3A_55 : vector<1x1000x128xf32> to vector<1000x128xf32>
    %add3A_57 = arith.addf %get3A_56, %mul3A_51 : vector<1000x128xf32>
    %get3A_58 = arith.constant 0 : index
    %get3A_59 = arith.constant 0 : index
    %get3A_60 = vector.load %arg7[%get3A_58, %get3A_59] : memref<128x128xf32, #tpu.memory_space<vmem>>, vector<128x128xf32>
    %dot_general3A_61 = arith.constant dense<0.000000e+00> : vector<1000x128xf32>
    %dot_general3A_62 = tpu.matmul %add3A_57, %get3A_60, %dot_general3A_61 {dimension_numbers = #tpu.dot_dimension_numbers<[1], [0], [0], [1], [0, 0, 1, 1], [], []>, precision = #tpu.contract_precision<fp32>, transpose_lhs_hint = false} : vector<1000x128xf32>, vector<128x128xf32>, vector<1000x128xf32> -> vector<1000x128xf32>
    %get3A_63 = arith.constant 0 : index
    %get3A_64 = arith.constant 0 : index
    %get3A_65 = vector.load %arg8[%get3A_63, %get3A_64] : memref<1x128xf32, #tpu.memory_space<vmem>>, vector<1x128xf32>
    %add3A_66 = vector.broadcast %get3A_65 : vector<1x128xf32> to vector<1000x128xf32>
    %add3A_67 = arith.addf %dot_general3A_62, %add3A_66 : vector<1000x128xf32>
    %gt3A_68 = arith.constant 0.000000e+00 : f32
    %gt3A_69 = vector.broadcast %gt3A_68 : f32 to vector<1000x128xf32>
    %gt3A_70 = arith.cmpf ogt, %add3A_67, %gt3A_69 : vector<1000x128xf32>
    %exp3A_71 = math.exp %add3A_67 : vector<1000x128xf32>
    %sub3A_72 = arith.constant 1.000000e+00 : f32
    %sub3A_73 = vector.broadcast %sub3A_72 : f32 to vector<1000x128xf32>
    %sub3A_74 = arith.subf %exp3A_71, %sub3A_73 : vector<1000x128xf32>
    %mul3A_75 = arith.constant 1.67326319 : f32
    %mul3A_76 = vector.broadcast %mul3A_75 : f32 to vector<1000x128xf32>
    %mul3A_77 = arith.mulf %mul3A_76, %sub3A_74 : vector<1000x128xf32>
    %select_n3A_78 = arith.select %gt3A_70, %add3A_67, %mul3A_77 : vector<1000x128xi1>, vector<1000x128xf32>
    %mul3A_79 = arith.constant 1.05070102 : f32
    %mul3A_80 = vector.broadcast %mul3A_79 : f32 to vector<1000x128xf32>
    %mul3A_81 = arith.mulf %mul3A_80, %select_n3A_78 : vector<1000x128xf32>
    %get3A_82 = arith.constant 0 : index
    %get3A_83 = arith.constant 0 : index
    %get3A_84 = vector.load %arg9[%get3A_82, %get3A_83] : memref<128x128xf32, #tpu.memory_space<vmem>>, vector<128x128xf32>
    %dot_general3A_85 = arith.constant dense<0.000000e+00> : vector<1000x128xf32>
    %dot_general3A_86 = tpu.matmul %mul3A_81, %get3A_84, %dot_general3A_85 {dimension_numbers = #tpu.dot_dimension_numbers<[1], [0], [0], [1], [0, 0, 1, 1], [], []>, precision = #tpu.contract_precision<fp32>, transpose_lhs_hint = false} : vector<1000x128xf32>, vector<128x128xf32>, vector<1000x128xf32> -> vector<1000x128xf32>
    %get3A_87 = arith.constant 0 : index
    %get3A_88 = arith.constant 0 : index
    %get3A_89 = vector.load %arg10[%get3A_87, %get3A_88] : memref<1x128xf32, #tpu.memory_space<vmem>>, vector<1x128xf32>
    %add3A_90 = vector.broadcast %get3A_89 : vector<1x128xf32> to vector<1000x128xf32>
    %add3A_91 = arith.addf %dot_general3A_86, %add3A_90 : vector<1000x128xf32>
    %gt3A_92 = arith.constant 0.000000e+00 : f32
    %gt3A_93 = vector.broadcast %gt3A_92 : f32 to vector<1000x128xf32>
    %gt3A_94 = arith.cmpf ogt, %add3A_91, %gt3A_93 : vector<1000x128xf32>
    %exp3A_95 = math.exp %add3A_91 : vector<1000x128xf32>
    %sub3A_96 = arith.constant 1.000000e+00 : f32
    %sub3A_97 = vector.broadcast %sub3A_96 : f32 to vector<1000x128xf32>
    %sub3A_98 = arith.subf %exp3A_95, %sub3A_97 : vector<1000x128xf32>
    %mul3A_99 = arith.constant 1.67326319 : f32
    %mul3A_100 = vector.broadcast %mul3A_99 : f32 to vector<1000x128xf32>
    %mul3A_101 = arith.mulf %mul3A_100, %sub3A_98 : vector<1000x128xf32>
    %select_n3A_102 = arith.select %gt3A_94, %add3A_91, %mul3A_101 : vector<1000x128xi1>, vector<1000x128xf32>
    %mul3A_103 = arith.constant 1.05070102 : f32
    %mul3A_104 = vector.broadcast %mul3A_103 : f32 to vector<1000x128xf32>
    %mul3A_105 = arith.mulf %mul3A_104, %select_n3A_102 : vector<1000x128xf32>
    %swap3A_106 = arith.constant 0 : index
    %swap3A_107 = arith.constant 128 : index
    %swap3A_108 = vector.load %arg11[%swap3A_106, %swap3A_107] : memref<1000x256xf32, #tpu.memory_space<vmem>>, vector<1000x128xf32>
    tpu.vector_store %arg11[%swap3A_106, %swap3A_107], %mul3A_105 {strides = array<i32>} : memref<1000x256xf32, #tpu.memory_space<vmem>>, vector<1000x128xf32>,
    return
  }
  func.func @transform_0(%arg0: i32) -> (i32, i32) {
    %c0_i32 = arith.constant 0 : i32
    %c0_i32_0 = arith.constant 0 : i32
    return %arg0, %c0_i32 : i32, i32
  }
  func.func @transform_1(%arg0: i32) -> (i32, i32, i32) {
    %c0_i32 = arith.constant 0 : i32
    %c0_i32_0 = arith.constant 0 : i32
    %c0_i32_1 = arith.constant 0 : i32
    return %c0_i32, %arg0, %c0_i32_0 : i32, i32, i32
  }
  func.func @transform_2(%arg0: i32) -> (i32, i32) {
    %c0_i32 = arith.constant 0 : i32
    %c0_i32_0 = arith.constant 0 : i32
    %c0_i32_1 = arith.constant 0 : i32
    return %c0_i32, %c0_i32_0 : i32, i32
  }
  func.func @transform_3(%arg0: i32) -> (i32, i32) {
    %c0_i32 = arith.constant 0 : i32
    %c0_i32_0 = arith.constant 0 : i32
    %c0_i32_1 = arith.constant 0 : i32
    return %c0_i32, %c0_i32_0 : i32, i32
  }
  func.func @transform_4(%arg0: i32) -> (i32, i32) {
    %c0_i32 = arith.constant 0 : i32
    %c0_i32_0 = arith.constant 0 : i32
    %c0_i32_1 = arith.constant 0 : i32
    return %c0_i32, %c0_i32_0 : i32, i32
  }
  func.func @transform_5(%arg0: i32) -> (i32, i32) {
    %c0_i32 = arith.constant 0 : i32
    %c0_i32_0 = arith.constant 0 : i32
    %c0_i32_1 = arith.constant 0 : i32
    return %c0_i32, %c0_i32_0 : i32, i32
  }
  func.func @transform_6(%arg0: i32) -> (i32, i32) {
    %c0_i32 = arith.constant 0 : i32
    %c0_i32_0 = arith.constant 0 : i32
    %c0_i32_1 = arith.constant 0 : i32
    return %c0_i32, %c0_i32_0 : i32, i32
  }
  func.func @transform_7(%arg0: i32) -> (i32, i32) {
    %c0_i32 = arith.constant 0 : i32
    %c0_i32_0 = arith.constant 0 : i32
    %c0_i32_1 = arith.constant 0 : i32
    return %c0_i32, %c0_i32_0 : i32, i32
  }
  func.func @transform_8(%arg0: i32) -> (i32, i32) {
    %c0_i32 = arith.constant 0 : i32
    %c0_i32_0 = arith.constant 0 : i32
    %c0_i32_1 = arith.constant 0 : i32
    return %c0_i32, %c0_i32_0 : i32, i32
  }
  func.func @transform_9(%arg0: i32) -> (i32, i32) {
    %c0_i32 = arith.constant 0 : i32
    %c0_i32_0 = arith.constant 0 : i32
    %c0_i32_1 = arith.constant 0 : i32
    return %c0_i32, %c0_i32_0 : i32, i32
  }
  func.func @transform_10(%arg0: i32) -> (i32, i32) {
    %c0_i32 = arith.constant 0 : i32
    %c0_i32_0 = arith.constant 0 : i32
    return %arg0, %c0_i32 : i32, i32
  }
}

</mosaic_0001>

<sc_bundles>
// kernel: kernel.4.cloned.1.call-start
scs
__scs_entry_jumppad:
0x0: {  	(pc) =	sbr.rel $0x88, $3  }
0x1: {  	(tag) =	ssettag $0x0;
	lr =	simm.s32 $0x1  }
0x2: {  	[smem:$0x3F96] =	sst lr;
	_ =	strace $0xD0000000  }
0x3: {  	_ = 	snop  }
0x4: {  	_ = 	snop  }
0x5: {  	_ = 	snop  }
0x6: {  	_ = 	snop  }
0x7: {  	_ = 	snop  }
__scs_overlays_trampoline_lowered:
0x8: {  	[smem:$0x3FA5] =	sst s0  }
0x9: {  	[smem:$0x3FA6] =	sst s1  }
0xa: {  	[smem:$0x3FA7] =	sst s2  }
0xb: {  	[smem:$0x3FA8] =	sst s3  }
0xc: {  	[smem:$0x3FA9] =	sst s4  }
0xd: {  	[smem:$0x3FAA] =	sst s5  }
0xe: {  	[smem:$0x3FAB] =	sst s6  }
0xf: {  	[smem:$0x3FAC] =	sst s7  }
0x10: {  	[smem:$0x3FAD] =	sst s8  }
0x11: {  	[smem:$0x3FAE] =	sst s9;
	s0 =	simm.s32 @!p0 $0x0  }
0x12: {  	s1 =	sld [smem:$0x3F94];
	s0 =	simm.s32 @p0 $0x1  }
0x13: {  	[smem:$0x3FAF] =	sst s0;
	s0 =	simm.s32 @!p1 $0x0  }
0x14: {  	s2 =	sld [smem:$0x3F93];
	s0 =	simm.s32 @p1 $0x1  }
0x15: {  	[smem:$0x3FB0] =	sst s0;
	s0 =	simm.s32 @!p2 $0x0  }
0x16: {  	s3 =	sld [smem:$0x3FDB];
	s0 =	simm.s32 @p2 $0x1  }
0x17: {  	s4 =	simm.s32 $0x1BF5;
	[smem:$0x3FB2] =	sst s0  }
0x18: {  	s0 =	sld [smem:$0x3F95];
	_ =	swait.ge [sflag:s4], $0x0  }
0x19: {  	s7 =	sld [smem:$0x3F96]  }
0x1a: {  	s8 =	sadd.s32 $0xFFFFE003, lr  }
0x1b: {  	s9 =	sadd.s32 $0xFFFFFEF7, lr;
	s5 =	simm.s32 $0xFFFFFFFF;
	p2 =	slt.u32 s8, $0xFFFFF086  }
0x1c: {  	p1 =	slt.u32 s9, $0xF7A;
	s5 =	simm.s32 @!p2 $0x0  }
0x1d: {  	s5 =	simm.s32 @p1 $0x1;
	p0 =	seq.s32 s7, s2  }
0x1e: {  	s7 =	smul.u32 @!p0 $0xF7A, s2;
	p2 =	seq.s32 @!p0 s5, $0x0  }
0x1f: {  	s9 =	smul.u32 $0xF7A, s1;
	s8 =	simm.s32 @!p0 $0x1BF5;
	p2 =	por !p2, p0  }
0x20: {  	[sflag:s8] =	ssyncset.s32 @!p0 $0xFFFFF086;
	s6 =	sadd.s32 @!p0 s3, s7;
	s7 =	simm.s32 @!p0 $0x108  }
0x21: {  	s3 =	sadd.s32 s3, s9;
	s6 =	sadd.s32 @!p0 $0x88, s6;
	s7 =	simm.s32 @p2 $0x1082  }
0x22: {  	[simem:s7], [sflag:s8] =	dma.local @!p0 [hbm:s6], $0xF7A  }
0x23: {  	s9 =	sor.u32 $0xD0000000, s2;
	s6 =	simm.s32 $0x108;
	_ =	swait.ge @!p0 [sflag:s8], $0x0  }
0x24: {  	s3 =	sadd.s32 $0x88, s3;
	s6 =	simm.s32 @!p1 $0x1082;
	[sflag:s4] =	ssyncset.s32 $0xFFFFF086  }
0x25: {  	[simem:s6], [sflag:s4] =	dma.local [hbm:s3], $0xF7A  }
0x26: {  	[smem:$0x3F96] =	sst s1;
	(tag) =	ssettag s2;
	_ =	strace s9  }
0x27: {  	s1 =	sld [smem:$0x3FA6]  }
0x28: {  	s2 =	sld [smem:$0x3FA7]  }
0x29: {  	s4 =	sld [smem:$0x3FA9]  }
0x2a: {  	p0 =	seq.s32 s5, $0x0;
	s5 =	sld [smem:$0x3FAA]  }
0x2b: {  	s6 =	sld [smem:$0x3FAB]  }
0x2c: {  	s7 =	sld [smem:$0x3FAC]  }
0x2d: {  	s3 =	simm.s32 $0x108;
	s8 =	sld [smem:$0x3FAD]  }
0x2e: {  	s3 =	simm.s32 @!p0 $0x1082;
	s9 =	sld [smem:$0x3FAE]  }
0x2f: {  	lr =	sadd.s32 s0, s3;
	s0 =	sld [smem:$0x3FA5]  }
0x30: {  	s3 =	sld [smem:$0x3FA8]  }
0x31: {  	[smem:$0x3FB1] =	sst s10  }
0x32: {  	s10 =	sld [smem:$0x3FAF];
	_ =	sdelay $0x3  }
0x33: {  	p0 =	seq.s32 s10, $0x1;
	s10 =	sld [smem:$0x3FB1];
	_ =	sdelay $0x3  }
0x34: {  	[smem:$0x3FB1] =	sst s10  }
0x35: {  	s10 =	sld [smem:$0x3FB0];
	_ =	sdelay $0x3  }
0x36: {  	p1 =	seq.s32 s10, $0x1;
	s10 =	sld [smem:$0x3FB1];
	_ =	sdelay $0x3  }
0x37: {  	[smem:$0x3FB1] =	sst s10  }
0x38: {  	s10 =	sld [smem:$0x3FB2]  }
0x39: {  	_ = 	snop;
	(pc) =	sbr.ind lr, $3  }
0x3a: {  	_ = 	snop  }
0x3b: {  	_ = 	snop  }
0x3c: {  	p2 =	seq.s32 s10, $0x1;
	s10 =	sld [smem:$0x3FB1]  }
0x3d: {  	_ =	shalt  }
0x3e: {  	_ =	shalt  }
0x3f: {  	_ =	shalt  }
0x40: {  	_ =	shalt  }
0x41: {  	_ =	shalt  }
0x42: {  	_ =	shalt  }
0x43: {  	_ =	shalt  }
0x44: {  	_ =	shalt  }
0x45: {  	_ =	shalt  }
0x46: {  	_ =	shalt  }
0x47: {  	_ =	shalt  }
0x48: {  	_ =	shalt  }
0x49: {  	_ =	shalt  }
0x4a: {  	_ =	shalt  }
0x4b: {  	_ =	shalt  }
0x4c: {  	_ =	shalt  }
0x4d: {  	_ =	shalt  }
0x4e: {  	_ =	shalt  }
0x4f: {  	_ =	shalt  }
0x50: {  	_ =	shalt  }
0x51: {  	_ =	shalt  }
0x52: {  	_ =	shalt  }
0x53: {  	_ =	shalt  }
0x54: {  	_ =	shalt  }
0x55: {  	_ =	shalt  }
0x56: {  	_ =	shalt  }
0x57: {  	_ =	shalt  }
0x58: {  	_ =	shalt  }
0x59: {  	_ =	shalt  }
0x5a: {  	_ =	shalt  }
0x5b: {  	_ =	shalt  }
0x5c: {  	_ =	shalt  }
0x5d: {  	_ =	shalt  }
0x5e: {  	_ =	shalt  }
0x5f: {  	_ =	shalt  }
0x60: {  	_ =	shalt  }
0x61: {  	_ =	shalt  }
0x62: {  	_ =	shalt  }
0x63: {  	_ =	shalt  }
0x64: {  	_ =	shalt  }
0x65: {  	_ =	shalt  }
0x66: {  	_ =	shalt  }
0x67: {  	_ =	shalt  }
0x68: {  	_ =	shalt  }
0x69: {  	_ =	shalt  }
0x6a: {  	_ =	shalt  }
0x6b: {  	_ =	shalt  }
0x6c: {  	_ =	shalt  }
0x6d: {  	_ =	shalt  }
0x6e: {  	_ =	shalt  }
0x6f: {  	_ =	shalt  }
0x70: {  	_ =	shalt  }
0x71: {  	_ =	shalt  }
0x72: {  	_ =	shalt  }
0x73: {  	_ =	shalt  }
0x74: {  	_ =	shalt  }
0x75: {  	_ =	shalt  }
0x76: {  	_ =	shalt  }
0x77: {  	_ =	shalt  }
0x78: {  	_ =	shalt  }
0x79: {  	_ =	shalt  }
0x7a: {  	_ =	shalt  }
0x7b: {  	_ =	shalt  }
0x7c: {  	_ =	shalt  }
0x7d: {  	_ =	shalt  }
0x7e: {  	_ =	shalt  }
0x7f: {  	_ =	shalt  }
0x80: {  	_ =	shalt  }
0x81: {  	_ =	shalt  }
0x82: {  	_ =	shalt  }
0x83: {  	_ =	shalt  }
0x84: {  	_ =	shalt  }
0x85: {  	_ =	shalt  }
0x86: {  	_ =	shalt  }
0x87: {  	_ =	shalt  }
.Lfunc_end0:
.L_simem_size_0:
called_computation_lowered:
.L_overlay_start_0:
0x88: {  	s2 =	sld [smem:$0x3FD9]  }
0x89: {  	s3 =	sld [smem:$0x3FFE];
	_ =	sdelay $0x1  }
0x8a: {  	s1 =	srdreg.scid  }
0x8b: {  	s0 =	sand.u32 $0x1, s1  }
0x8c: {  	s17 =	sshll.u32 s0, $0xA;
	s2 =	sadd.s32 s3, s2  }
0x8d: {  	s2 =	sadd.s32 s2, s17  }
0x8e: {  	[smem:$0x3FBD] =	sst s2  }
0x8f: {  	_ = 	snop  }
0x90: {  	s2 =	sld [smem:$0x3FC9]  }
0x91: {  	s18 =	sld [smem:$0x3FD0];
	(tm) =	ssettm $0x1  }
0x92: {  	s4 =	sld [smem:$0x3FFB];
	_ =	sdelay $0x3  }
0x93: {  	_ =	strace s4  }
0x94: {  	s4 =	sld [smem:$0x3FFC];
	_ =	sdelay $0x3  }
0x95: {  	_ =	strace s4  }
0x96: {  	s4 =	sld [smem:$0x3FFD];
	_ =	sdelay $0x3  }
0x97: {  	_ =	strace s4  }
0x98: {  	_ =	strace $0x8FFFFFFF  }
0x99: {  	s19 =	sld [smem:$0x3FDB];
	_ =	sdelay $0x1  }
0x9a: {  	s5 =	simm.s32 $_scs_section_size  }
0x9b: {  	s6 =	simm.s32 $_size__tile_overlayer_lowered;
	s7 =	simm.s32 $_tile_overlayer_lowered  }
0x9c: {  	s22 =	simm.s32 $0x1BFF;
	s21 =	sshll.u32 s7, $0x1;
	s4 =	sadd.s32 s5, s19  }
0x9d: {  	s8 =	simm.s32 $0x0;
	s20 =	sshll.u32 s6, $0x1;
	s6 =	sadd.s32 s21, s4  }
0x9e: {  	[timem:s8], [sflag:s22] =	dma.local [hbm:s6], s20  }
0x9f: {  	_ =	swait.ge [sflag:s22], s20  }
0xa0: {  	s5 =	ssub.s32 $0x0, s20;
	[sflag:s22] =	ssyncset.done $0x0  }
0xa1: {  	[sflag:s22] =	ssyncadd.s32 s5;
	_ =	sdelay $0x1  }
0xa2: {  	s23 =	simm.s32 $0x1B8B  }
0xa3: {  	_ =	swait.ge [sflag:s23], $0x1  }
0xa4: {  	[sflag:s23] =	ssyncset.done $0x0  }
0xa5: {  	s25 =	simm.s32 $0x1B8E;
	s24 =	sld [smem:$0x3FFE];
	[sflag:s23] =	ssyncadd.s32 $0xFFFFFFFF  }
0xa6: {  	s26 =	simm.s32 $execute0_lowered;
	[smem:$0x3FD2] =	sst s25  }
0xa7: {  	s6 =	sshll.u32 s26, $0x1;
	_ =	strace $0x80000046;
	[dreg:$0x1] =	wrdreg $0xFFFFFFFF  }
0xa8: {  	s28 =	simm.s32 $_size_execute0_lowered;
	s4 =	sadd.s32 s4, s6;
	[dreg:$0x0] =	wrdreg $0x0  }
0xa9: {  	s6 =	sshll.u32 s28, $0x1;
	[dreg:$0x2] =	wrdreg s4  }
0xaa: {  	[dreg:$0x3] =	wrdreg s6  }
0xab: {  	[dreg:$0x4] =	wrdreg $0xC0  }
0xac: {  	_ =	task [dreg:s8], $0x5FFFF  }
0xad: {  	[dreg:$0x1] =	wrdreg $0xFFFFFFFF  }
0xae: {  	[dreg:$0x0] =	wrdreg $0x60  }
0xaf: {  	[dreg:$0x2] =	wrdreg s2  }
0xb0: {  	[dreg:$0x3] =	wrdreg s24  }
0xb1: {  	[dreg:$0x4] =	wrdreg s18  }
0xb2: {  	[dreg:$0x5] =	wrdreg $0x0  }
0xb3: {  	[dreg:$0x6] =	wrdreg $0x9  }
0xb4: {  	_ =	task.clear_ibuf [dreg:s8], $0x7FFFF;
	_ =	strace $0x90000046  }
0xb5: {  	s29 =	simm.s32 $0x9;
	_ =	strace $0x80000048  }
0xb6: {  	_ =	swait.ge [sflag:s29], $0x1  }
0xb7: {  	[sflag:s29] =	ssyncadd.s32 $0xFFFFFFFF  }
0xb8: {  	_ =	strace $0x90000048  }
0xb9: {  	_ =	sfence  }
0xba: {  	s30 =	sld [smem:$0x0];
	_ =	sdelay $0x2  }
0xbb: {  	s31 =	sshll.u32 s1, $0xD;
	s1 =	sshrl.u32 s1, $0x2  }
0xbc: {  	s3 =	sand.u32 $0x4000, s31;
	s1 =	sadd.s32 s1, s30  }
0xbd: {  	s0 =	sor.u32 s3, s0;
	s1 =	sshll.u32 s1, $0x11  }
0xbe: {  	s0 =	sor.u32 s1, s0  }
0xbf: {  	s0 =	sadd.s32 $0x8F2B, s0  }
0xc0: {  	[sflag:s0] =	ssyncadd.remote.s32 $0x1  }
0xc1: {  	_ =	sfence.sel $0xFFFF  }
0xc2: {  	[dreg:$0x0] =	wrdreg $0xFFFFFFFF;
	(pc) =	sbr.abs _section_cstart, $3  }
0xc3: {  	[dreg:$0x1] =	wrdreg $0xFFFFFFFF  }
0xc4: {  	_ =	task.clear_ibuf [dreg:s8], $0x2FFFF;
	_ =	strace $0x9FFFFFFF  }
0xc5: {  	(tm) =	ssettm $0x7FFFFFFF  }
tec
execute0_lowered:
.L_overlay_start_1:
0x0: {  	(tag) =	ssettag $0x1  }
0x1: {  	s1 =	rddreg [dreg:$0x0]  }
0x2: {  	s0 =	rddreg [dreg:$0x1]  }
0x3: {  	s3 =	rddreg [dreg:$0x2]  }
0x4: {  	s2 =	rddreg [dreg:$0x3];
	s4 =	simm.s32 $0x0;
	s5 =	srdreg.scid  }
0x5: {  	s18 =	stileid.u32;
	s19 =	simm.s32 $0x2;
	s20 =	simm.s32 $0x13880  }
0x6: {  	s21 =	simm.s32 $0x13C80;
	s22 =	simm.s32 $0x14080;
	s23 =	simm.s32 $0x80  }
0x7: {  	s24 =	simm.s32 $0x14480;
	s25 =	simm.s32 $0x1;
	s26 =	simm.s32 $0x0  }
0x8: {  	[smem:$0x7FF] =	sst s4;
	s14 =	sand.u32 $0x1, s5;
	s8 =	smul.u32 $0x4E000, s18  }
0x9: {  	s5 =	sadd.s32 $0xB800, s0;
	s6 =	sadd.s32 $0x1800, s0;
	s7 =	sadd.s32 $0x15800, s0  }
0xa: {  	s16 =	smul.u32 $0x13800, s18;
	s13 =	sadd.s32 $0x138000, s2;
	p1 =	sne.s32 s18, $0xF  }
0xb: {  	_ =	strace $0x80000047;
	s9 =	ssub.s32 $0x2, s14;
	s15 =	smul.u32 $0x138800, s14  }
0xc: {  	p0 =	seq.s32 s14, $0x1;
	s14 =	smul.u32 $0x5000, s18;
	s31 =	sshrl.u32 s9, $0x1  }
0xd: {  	s18 =	simm.s32 $0x18480;
	s8 =	sshrl.u32 s8, $0x2;
	s0 =	ssub.s32 s9, s31  }
0xe: {  	s8 =	sadd.s32 s8, s2;
	s16 =	sadd.s32 s16, s15;
	s15 =	sshrl.u32 s15, $0x3  }
0xf: {  	s9 =	sadd.s32 $0x4000, s8;
	s10 =	sadd.s32 $0x8000, s8;
	s11 =	sadd.s32 $0xC000, s8  }
0x10: {  	s12 =	sadd.s32 $0x10000, s8;
	s16 =	sshrl.u32 s16, $0x3;
	s17 =	sadd.s32 s3, s15  }
0x11: {  	v0 =	vimm.f32 $0.0e+00;
	s15 =	sadd.s32 s3, s16;
	s16 =	sadd.s32 $0x27000, s17;
	s17 =	smax.u32 s0, $0x1  }
.LBB2_1:
0x12: {  	s0 =	simm.s32 $0x0;
	s3 =	simm.s32 $0x200  }
.LBB2_2:
0x13: {  	p2 =	sne.s32 s3, $0xFE00;
	[tilespmem:s0+$0x184F0] =	vst v0  }
0x14: {  	[tilespmem:s0+$0x18480] =	vst v0  }
0x15: {  	[tilespmem:s0+$0x18490] =	vst v0  }
.Ltmp0:
0x16: {  	[tilespmem:s0+$0x184A0] =	vst v0;
	(pc) =	sbr.rel @p2 .LBB2_2-.Ltmp0, $4  }
0x17: {  	[tilespmem:s0+$0x184B0] =	vst v0  }
0x18: {  	[tilespmem:s0+$0x184C0] =	vst v0  }
0x19: {  	[tilespmem:s0+$0x184D0] =	vst v0  }
0x1a: {  	[tilespmem:s0+$0x184E0] =	vst v0;
	s0 =	sshra.s32 s3, $0x2;
	s3 =	sadd.s32 $0x200, s3  }
0x1b: {  	[tilespmem:s0+$0x184F0] =	vst v0  }
0x1c: {  	[tilespmem:s0+$0x18480] =	vst v0  }
0x1d: {  	[tilespmem:s0+$0x18490] =	vst v0  }
0x1e: {  	[tilespmem:s0+$0x184A0] =	vst v0  }
0x1f: {  	[tilespmem:s0+$0x184B0] =	vst v0  }
0x20: {  	[tilespmem:s0+$0x184C0] =	vst v0  }
0x21: {  	[tilespmem:s0+$0x184D0] =	vst v0  }
0x22: {  	[tilespmem:s0+$0x184E0] =	vst v0  }
0x23: {  	[spmem:s8] =	stream.linear.scatter [tilespmem:s18], [sflag:$0x2], $0x4000, $0x38;
	[tilespmem:$0x1C480] =	vst v63  }
0x24: {  	_ =	swait.ge [sflag:s19], $0x4000  }
0x25: {  	[sflag:s19] =	ssyncset.done $0x0  }
0x26: {  	[sflag:s19] =	ssyncadd.s32 $0xFFFFC000  }
0x27: {  	[spmem:s9] =	stream.linear.scatter [tilespmem:s18], [sflag:$0x2], $0x4000, $0x38;
	[tilespmem:$0x1C480] =	vst v63  }
0x28: {  	_ =	swait.ge [sflag:s19], $0x4000  }
0x29: {  	[sflag:s19] =	ssyncset.done $0x0  }
0x2a: {  	[sflag:s19] =	ssyncadd.s32 $0xFFFFC000  }
0x2b: {  	[spmem:s10] =	stream.linear.scatter [tilespmem:s18], [sflag:$0x2], $0x4000, $0x38;
	[tilespmem:$0x1C480] =	vst v63  }
0x2c: {  	_ =	swait.ge [sflag:s19], $0x4000  }
0x2d: {  	[sflag:s19] =	ssyncset.done $0x0  }
0x2e: {  	[sflag:s19] =	ssyncadd.s32 $0xFFFFC000  }
0x2f: {  	[spmem:s11] =	stream.linear.scatter [tilespmem:s18], [sflag:$0x2], $0x4000, $0x38;
	[tilespmem:$0x1C480] =	vst v63  }
0x30: {  	_ =	swait.ge [sflag:s19], $0x4000  }
0x31: {  	[sflag:s19] =	ssyncset.done $0x0  }
0x32: {  	[sflag:s19] =	ssyncadd.s32 $0xFFFFC000  }
0x33: {  	[spmem:s12] =	stream.linear.scatter [tilespmem:s18], [sflag:$0x2], $0x3800, $0x38;
	[tilespmem:$0x1C480] =	vst v63  }
0x34: {  	_ =	swait.ge [sflag:s19], $0x3800  }
0x35: {  	[sflag:s19] =	ssyncset.done $0x0  }
0x36: {  	s0 =	simm.s32 @!p1 $0x18480;
	[sflag:s19] =	ssyncadd.s32 $0xFFFFC800  }
0x37: {  	[spmem:s13] =	stream.linear.scatter @!p1 [tilespmem:s0], [sflag:$0x2], $0x800, $0x38;
	[tilespmem:$0x1C480] =	vst v63  }
0x38: {  	s0 =	simm.s32 @!p1 $0x2  }
0x39: {  	_ =	swait.ge @!p1 [sflag:s0], $0x800  }
0x3a: {  	[sflag:s0] =	ssyncset.done @!p1 $0x0  }
0x3b: {  	[sflag:s0] =	ssyncadd.s32 @!p1 $0xFFFFF800  }
0x3c: {  	s28 =	simm.s32 $0x0;
	[bflag:$0x0] =	sbarrier.arrive $0xFFFF  }
.LBB2_4:
0x3d: {  	s0 =	sshll.u32 s28, $0xA  }
0x3e: {  	s0 =	sadd.s32 s14, s0  }
0x3f: {  	s0 =	sshrl.u32 s0, $0x3  }
0x40: {  	s3 =	sadd.s32 s5, s0  }
0x41: {  	[tilespmem:s20], [sflag:$0x2] =	stream.linear.gather [hbm4b:s3+s26], $0x400, $0x38;
	[tilespmem:$0x1C480] =	vst v63  }
0x42: {  	_ =	swait.ge [sflag:s19], $0x400  }
0x43: {  	[sflag:s19] =	ssyncset.done $0x0  }
0x44: {  	s31 =	sadd.s32 s6, s0;
	[sflag:s19] =	ssyncadd.s32 $0xFFFFFC00  }
0x45: {  	[tilespmem:s21], [sflag:$0x2] =	stream.linear.gather [hbm4b:s31+s26], $0x400, $0x38;
	[tilespmem:$0x1C480] =	vst v63  }
0x46: {  	_ =	swait.ge [sflag:s19], $0x400  }
0x47: {  	[sflag:s19] =	ssyncset.done $0x0  }
0x48: {  	s0 =	sadd.s32 s7, s0;
	[sflag:s19] =	ssyncadd.s32 $0xFFFFFC00  }
0x49: {  	[tilespmem:s22], [sflag:$0x2] =	stream.linear.gather [hbm4b:s0+s26], $0x400, $0x38;
	[tilespmem:$0x1C480] =	vst v63  }
0x4a: {  	_ =	swait.ge [sflag:s19], $0x400  }
0x4b: {  	[sflag:s19] =	ssyncset.done $0x0  }
0x4c: {  	s29 =	simm.s32 $0x0;
	[sflag:s19] =	ssyncadd.s32 $0xFFFFFC00  }
.LBB2_5:
0x4d: {  	s0 =	simm.s32 $0x0  }
0x4e: {  	s30 =	sshll.u32 s29, $0x7;
	v2 =	vmov s0  }
0x4f: {  	s3 =	sadd.s32 $0x13C80, s30;
	v1 =	vmov s30;
	v2 =	vand.u32 $0x7F, v2  }
0x50: {  	[tilespmem:s24], [sflag:$0x1] =	stream.indirect.gather [hbm4b:s1+s23], $0x80, s3, s23, $0xb8;
	v2 =	vadd.s32 v1, v2;
	[tilespmem:$0x1C480] =	vst v63  }
0x51: {  	_ =	swait.ge [sflag:s25], $0x4000;
	v2 =	vbroadcast v2, $0x0  }
0x52: {  	[sflag:s25] =	ssyncset.done $0x0  }
0x53: {  	s0 =	simm.s32 $0x144C0;
	[sflag:s25] =	ssyncadd.s32 $0xFFFFC000  }
0x54: {  	v3 =	vld [tilespmem:s0+$0xFFFFFFC0];
	_ =	sdelay $0x2  }
0x55: {  	v2 =	vld.idx.msk [tilespmem:v2+s22+$0x0], $0xffff;
	_ =	sdelay $0x1  }
0x56: {  	v4 =	vmul.f32 v3, v3;
	_ =	sdelay $0x1  }
0x57: {  	v3 =	vpsel p0, v4, v3  }
0x58: {  	v3 =	vmul.f32 v3, v2  }
0x59: {  	s31 =	simm.s32 $0x184C0  }
0x5a: {  	[tilespmem:s31+$0xFFFFFFC0] =	vst v3  }
0x5b: {  	v3 =	vld [tilespmem:s0+$0xFFFFFFD0];
	_ =	sdelay $0x4  }
0x5c: {  	v4 =	vmul.f32 v3, v3;
	_ =	sdelay $0x1  }
0x5d: {  	v3 =	vpsel p0, v4, v3  }
0x5e: {  	v3 =	vmul.f32 v3, v2;
	_ =	sdelay $0x1  }
0x5f: {  	[tilespmem:s31+$0xFFFFFFD0] =	vst v3  }
0x60: {  	v3 =	vld [tilespmem:s0+$0xFFFFFFE0];
	_ =	sdelay $0x4  }
0x61: {  	v4 =	vmul.f32 v3, v3;
	_ =	sdelay $0x1  }
0x62: {  	v3 =	vpsel p0, v4, v3  }
0x63: {  	v3 =	vmul.f32 v3, v2;
	_ =	sdelay $0x1  }
0x64: {  	[tilespmem:s31+$0xFFFFFFE0] =	vst v3  }
0x65: {  	v3 =	vld [tilespmem:s0+$0xFFFFFFF0];
	_ =	sdelay $0x4  }
0x66: {  	v4 =	vmul.f32 v3, v3;
	_ =	sdelay $0x1  }
0x67: {  	v3 =	vpsel p0, v4, v3  }
0x68: {  	v3 =	vmul.f32 v3, v2;
	_ =	sdelay $0x1  }
0x69: {  	[tilespmem:s31+$0xFFFFFFF0] =	vst v3  }
0x6a: {  	v3 =	vld [tilespmem:s0+$0x0];
	_ =	sdelay $0x4  }
0x6b: {  	v4 =	vmul.f32 v3, v3;
	_ =	sdelay $0x1  }
0x6c: {  	v3 =	vpsel p0, v4, v3  }
0x6d: {  	v3 =	vmul.f32 v3, v2;
	_ =	sdelay $0x1  }
0x6e: {  	[tilespmem:s31+$0x0] =	vst v3  }
0x6f: {  	v3 =	vld [tilespmem:s0+$0x10];
	_ =	sdelay $0x4  }
0x70: {  	v4 =	vmul.f32 v3, v3;
	_ =	sdelay $0x1  }
0x71: {  	v3 =	vpsel p0, v4, v3  }
0x72: {  	v3 =	vmul.f32 v3, v2;
	_ =	sdelay $0x1  }
0x73: {  	[tilespmem:s31+$0x10] =	vst v3  }
0x74: {  	v3 =	vld [tilespmem:s0+$0x20];
	_ =	sdelay $0x4  }
0x75: {  	v4 =	vmul.f32 v3, v3;
	_ =	sdelay $0x1  }
0x76: {  	v3 =	vpsel p0, v4, v3  }
0x77: {  	v3 =	vmul.f32 v3, v2;
	_ =	sdelay $0x1  }
0x78: {  	[tilespmem:s31+$0x20] =	vst v3  }
0x79: {  	v3 =	vld [tilespmem:s0+$0x30];
	_ =	sdelay $0x1  }
0x7a: {  	s3 =	simm.s32 $0x1  }
0x7b: {  	v4 =	vmov s3  }
0x7c: {  	s3 =	simm.s32 $0x2;
	v4 =	vand.u32 $0x7F, v4  }
.LBB2_6:
0x7d: {  	p2 =	sne.s32 s3, $0x7F;
	v4 =	vadd.s32 v1, v4;
	v5 =	vmul.f32 v3, v3  }
0x7e: {  	v4 =	vbroadcast v4, $0x0  }
0x7f: {  	v3 =	vpsel p0, v5, v3  }
0x80: {  	v2 =	vmul.f32 v3, v2;
	_ =	sdelay $0x1  }
0x81: {  	s0 =	sadd.s32 $0x80, s0;
	[tilespmem:s31+$0x30] =	vst v2  }
0x82: {  	v3 =	vld [tilespmem:s0+$0xFFFFFFC0]  }
0x83: {  	v2 =	vld.idx.msk [tilespmem:v4+s22+$0x0], $0xffff;
	_ =	sdelay $0x3  }
0x84: {  	v4 =	vmul.f32 v3, v3;
	_ =	sdelay $0x1  }
0x85: {  	v3 =	vpsel p0, v4, v3  }
0x86: {  	v3 =	vmul.f32 v3, v2  }
0x87: {  	s31 =	sadd.s32 $0x80, s31  }
0x88: {  	[tilespmem:s31+$0xFFFFFFC0] =	vst v3  }
0x89: {  	v3 =	vld [tilespmem:s0+$0xFFFFFFD0];
	_ =	sdelay $0x4  }
0x8a: {  	v4 =	vmul.f32 v3, v3;
	_ =	sdelay $0x1  }
0x8b: {  	v3 =	vpsel p0, v4, v3  }
0x8c: {  	v3 =	vmul.f32 v3, v2;
	_ =	sdelay $0x1  }
0x8d: {  	[tilespmem:s31+$0xFFFFFFD0] =	vst v3  }
0x8e: {  	v3 =	vld [tilespmem:s0+$0xFFFFFFE0];
	_ =	sdelay $0x4  }
0x8f: {  	v4 =	vmul.f32 v3, v3;
	_ =	sdelay $0x1  }
0x90: {  	v3 =	vpsel p0, v4, v3  }
0x91: {  	v3 =	vmul.f32 v3, v2;
	_ =	sdelay $0x1  }
0x92: {  	[tilespmem:s31+$0xFFFFFFE0] =	vst v3  }
0x93: {  	v3 =	vld [tilespmem:s0+$0xFFFFFFF0];
	_ =	sdelay $0x4  }
0x94: {  	v4 =	vmul.f32 v3, v3;
	_ =	sdelay $0x1  }
0x95: {  	v3 =	vpsel p0, v4, v3  }
0x96: {  	v3 =	vmul.f32 v3, v2;
	_ =	sdelay $0x1  }
0x97: {  	[tilespmem:s31+$0xFFFFFFF0] =	vst v3  }
0x98: {  	v3 =	vld [tilespmem:s0+$0x0];
	_ =	sdelay $0x4  }
0x99: {  	v4 =	vmul.f32 v3, v3;
	_ =	sdelay $0x1  }
0x9a: {  	v3 =	vpsel p0, v4, v3  }
0x9b: {  	v3 =	vmul.f32 v3, v2;
	_ =	sdelay $0x1  }
0x9c: {  	[tilespmem:s31+$0x0] =	vst v3  }
0x9d: {  	v3 =	vld [tilespmem:s0+$0x10];
	_ =	sdelay $0x4  }
0x9e: {  	v4 =	vmul.f32 v3, v3;
	_ =	sdelay $0x1  }
0x9f: {  	v3 =	vpsel p0, v4, v3  }
0xa0: {  	v3 =	vmul.f32 v3, v2;
	_ =	sdelay $0x1  }
0xa1: {  	[tilespmem:s31+$0x10] =	vst v3  }
0xa2: {  	v3 =	vld [tilespmem:s0+$0x20];
	_ =	sdelay $0x4  }
0xa3: {  	v4 =	vmul.f32 v3, v3;
	_ =	sdelay $0x1  }
0xa4: {  	v3 =	vpsel p0, v4, v3  }
0xa5: {  	v3 =	vmul.f32 v3, v2;
	_ =	sdelay $0x1  }
0xa6: {  	[tilespmem:s31+$0x20] =	vst v3  }
.Ltmp1:
0xa7: {  	v3 =	vld [tilespmem:s0+$0x30];
	(pc) =	sbr.rel @p2 .LBB2_6-.Ltmp1, $3  }
0xa8: {  	_ =	sdelay $0x1  }
0xa9: {  	v4 =	vmov s3  }
0xaa: {  	s3 =	sadd.s32 $0x1, s3;
	v4 =	vand.u32 $0x7F, v4  }
0xab: {  	v5 =	vmul.f32 v3, v3;
	_ =	sdelay $0x1  }
0xac: {  	v1 =	vadd.s32 v1, v4;
	v3 =	vpsel p0, v5, v3  }
0xad: {  	v1 =	vbroadcast v1, $0x0;
	v2 =	vmul.f32 v3, v2;
	_ =	sdelay $0x1  }
0xae: {  	s0 =	sadd.s32 $0x80, s0;
	[tilespmem:s31+$0x30] =	vst v2  }
0xaf: {  	v2 =	vld [tilespmem:s0+$0xFFFFFFC0];
	_ =	sdelay $0x2  }
0xb0: {  	v1 =	vld.idx.msk [tilespmem:v1+s22+$0x0], $0xffff;
	_ =	sdelay $0x1  }
0xb1: {  	v3 =	vmul.f32 v2, v2;
	_ =	sdelay $0x1  }
0xb2: {  	v2 =	vpsel p0, v3, v2  }
0xb3: {  	v2 =	vmul.f32 v2, v1  }
0xb4: {  	s3 =	sadd.s32 $0x80, s31  }
0xb5: {  	[tilespmem:s3+$0xFFFFFFC0] =	vst v2  }
0xb6: {  	v2 =	vld [tilespmem:s0+$0xFFFFFFD0];
	_ =	sdelay $0x4  }
0xb7: {  	v3 =	vmul.f32 v2, v2;
	_ =	sdelay $0x1  }
0xb8: {  	v2 =	vpsel p0, v3, v2  }
0xb9: {  	v2 =	vmul.f32 v2, v1;
	_ =	sdelay $0x1  }
0xba: {  	[tilespmem:s3+$0xFFFFFFD0] =	vst v2  }
0xbb: {  	v2 =	vld [tilespmem:s0+$0xFFFFFFE0];
	_ =	sdelay $0x4  }
0xbc: {  	v3 =	vmul.f32 v2, v2;
	_ =	sdelay $0x1  }
0xbd: {  	v2 =	vpsel p0, v3, v2  }
0xbe: {  	v2 =	vmul.f32 v2, v1;
	_ =	sdelay $0x1  }
0xbf: {  	[tilespmem:s3+$0xFFFFFFE0] =	vst v2  }
0xc0: {  	v2 =	vld [tilespmem:s0+$0xFFFFFFF0];
	_ =	sdelay $0x4  }
0xc1: {  	v3 =	vmul.f32 v2, v2;
	_ =	sdelay $0x1  }
0xc2: {  	v2 =	vpsel p0, v3, v2  }
0xc3: {  	v2 =	vmul.f32 v2, v1;
	_ =	sdelay $0x1  }
0xc4: {  	[tilespmem:s3+$0xFFFFFFF0] =	vst v2  }
0xc5: {  	v2 =	vld [tilespmem:s0+$0x0];
	_ =	sdelay $0x4  }
0xc6: {  	v3 =	vmul.f32 v2, v2;
	_ =	sdelay $0x1  }
0xc7: {  	v2 =	vpsel p0, v3, v2  }
0xc8: {  	v2 =	vmul.f32 v2, v1;
	_ =	sdelay $0x1  }
0xc9: {  	[tilespmem:s3+$0x0] =	vst v2  }
0xca: {  	v2 =	vld [tilespmem:s0+$0x10];
	_ =	sdelay $0x4  }
0xcb: {  	v3 =	vmul.f32 v2, v2;
	_ =	sdelay $0x1  }
0xcc: {  	v2 =	vpsel p0, v3, v2  }
0xcd: {  	v2 =	vmul.f32 v2, v1;
	_ =	sdelay $0x1  }
0xce: {  	[tilespmem:s3+$0x10] =	vst v2  }
0xcf: {  	v2 =	vld [tilespmem:s0+$0x20];
	_ =	sdelay $0x4  }
0xd0: {  	v3 =	vmul.f32 v2, v2;
	_ =	sdelay $0x1  }
0xd1: {  	v2 =	vpsel p0, v3, v2  }
0xd2: {  	v2 =	vmul.f32 v2, v1;
	_ =	sdelay $0x1  }
0xd3: {  	[tilespmem:s3+$0x20] =	vst v2  }
0xd4: {  	v2 =	vld [tilespmem:s0+$0x30];
	_ =	sdelay $0x4  }
0xd5: {  	v3 =	vmul.f32 v2, v2;
	_ =	sdelay $0x1  }
0xd6: {  	v2 =	vpsel p0, v3, v2  }
0xd7: {  	s29 =	sadd.s32 $0x1, s29;
	v1 =	vmul.f32 v2, v1  }
0xd8: {  	p2 =	sne.s32 s29, $0x8  }
.Ltmp2:
0xd9: {  	s31 =	sadd.s32 $0x13880, s30;
	[tilespmem:s3+$0x30] =	vst v1;
	(pc) =	sbr.rel @p2 .LBB2_5-.Ltmp2, $4  }
0xda: {  	[spmem:s2] =	stream.indirect.scatter.add.f32 [tilespmem:s18], [sflag:$0x2], $0x80, s31, s23, $0xb8;
	[tilespmem:$0x1C480] =	vst v63  }
0xdb: {  	_ =	swait.ge [sflag:s19], $0x4000  }
0xdc: {  	[sflag:s19] =	ssyncset.done $0x0  }
0xdd: {  	[sflag:s19] =	ssyncadd.s32 $0xFFFFC000  }
0xde: {  	s28 =	sadd.s32 $0x1, s28  }
0xdf: {  	p2 =	sne.s32 s28, $0x14  }
.Ltmp3:
0xe0: {  	_ = 	snop;
	(pc) =	sbr.rel @p2 .LBB2_4-.Ltmp3, $1  }
0xe1: {  	_ =	sdelay $0x3  }
0xe2: {  	s0 =	stileid.u32  }
0xe3: {  	s0 =	sshll.u32 s0, $0x6  }
0xe4: {  	[bflag:$0x0] =	sbarrier.arrive $0xFFFF;
	s3 =	sshrl.u32 s8, $0x3;
	s0 =	sor.u32 $0x1C02, s0  }
0xe5: {  	[hbm:s15], [sflag:s0] =	dma.local [spmem:s3], $0x2700  }
0xe6: {  	_ =	swait.ge [sflag:s19], $0x2700  }
0xe7: {  	s4 =	sadd.s32 $0x1, s4;
	[sflag:s19] =	ssyncset.done $0x0  }
0xe8: {  	p2 =	sne.s32 s4, s17;
	s3 =	sshrl.u32 @!p1 s13, $0x3;
	[sflag:s19] =	ssyncadd.s32 $0xFFFFD900  }
0xe9: {  	[hbm:s16], [sflag:s0] =	dma.local @!p1 [spmem:s3], $0x100  }
.Ltmp4:
0xea: {  	_ = 	snop;
	(pc) =	sbr.rel @p2 .LBB2_1-.Ltmp4, $4  }
0xeb: {  	s0 =	simm.s32 @!p1 $0x2  }
0xec: {  	_ =	swait.ge @!p1 [sflag:s0], $0x100  }
0xed: {  	[sflag:s0] =	ssyncset.done @!p1 $0x0  }
0xee: {  	[sflag:s0] =	ssyncadd.s32 @!p1 $0xFFFFFF00  }
0xef: {  	_ =	sfence.sel $0x180000  }
0xf0: {  	[bflag:$0x0] =	sbarrier.arrive $0xFFFF  }
0xf1: {  	_ =	strace $0x90000047  }
0xf2: {  	s0 =	stileid.u32;
	[bflag:$0x2] =	sbarrier.arrive $0xFFFF  }
0xf3: {  	p0 =	sne.s32 s0, $0x0;
	s0 =	rddreg [dreg:$0x4]  }
0xf4: {  	s0 =	sadd.s32 @!p0 $0x100000, s0  }
0xf5: {  	[sflag:s0] =	ssyncadd.tile.s32 @!p0 $0x1;
	_ =	shalt  }
.Lfunc_end2:
_tile_overlayer_lowered:
.L_overlay_start_2:
0xf6: {  	(tag) =	ssettag $0x2  }
0xf7: {  	s0 =	rddreg [dreg:$0x0];
	s2 =	stileid.u32  }
0xf8: {  	s1 =	rddreg [dreg:$0x1];
	p0 =	sne.s32 s2, $0x0  }
0xf9: {  	s3 =	rddreg [dreg:$0x2];
	[bflag:$0x3] =	sbarrier.arrive $0xFFFF;
	s2 =	simm.s32 @!p0 $0x1C02  }
0xfa: {  	[timem:s3], [sflag:s2] =	dma.local @!p0 [hbm:s0], s1  }
0xfb: {  	s0 =	simm.s32 @!p0 $0x2  }
0xfc: {  	_ =	swait.ge @!p0 [sflag:s0], s1  }
0xfd: {  	s1 =	ssub.s32 @!p0 $0x0, s1;
	[sflag:s0] =	ssyncset.done @!p0 $0x0  }
0xfe: {  	[sflag:s0] =	ssyncadd.s32 @!p0 s1  }
0xff: {  	[bflag:$0x3] =	sbarrier.arrive $0xFFFF  }
0x100: {  	_ =	shalt  }

</sc_bundles>
